<compile_context>
chip_gen: v7x
topology: tpu7x:2x2x1
jax: 0.10.2.dev20260603
libtpu: 0.0.44.dev20260713+nightly
codegen_flags: <defaults>
</compile_context>

<pallas_src>
import functools

import jax
import jax.numpy as jnp
from jax import lax
from jax.experimental import pallas as pl
from jax.experimental.pallas import tpu as pltpu
from jax.experimental.pallas import tpu_sc as plsc

VOCAB = 256
BATCH = 16384
D = 256

_info = plsc.get_sparse_core_info()
_NC, _NS, _L = _info.num_cores, _info.num_subcores, _info.num_lanes
_NW = _NC * _NS
_BPW = BATCH // _NW
_C = 64
_NCHUNK = _BPW // _C
_NBUF = 7
_GDEPTH = 6


@functools.partial(
    pl.kernel,
    mesh=plsc.VectorSubcoreMesh(core_axis_name="c", subcore_axis_name="s"),
    out_type=jax.ShapeDtypeStruct((BATCH, D), jnp.float32),
    scratch_types=[
        pltpu.VMEM((_BPW,), jnp.int32),
        pltpu.VMEM((_BPW,), jnp.int32),
        pltpu.VMEM((_NCHUNK, _C), jnp.int32),
        pltpu.VMEM((_NBUF, _C, D), jnp.float32),
        pltpu.SemaphoreType.DMA,
        pltpu.SemaphoreType.DMA,
    ] + [pltpu.SemaphoreType.DMA] * (2 * _NBUF),
)
def _lookup(a_hbm, b_hbm, table_hbm, out_hbm, a_v, b_v, idx_v, rows_v,
            xsem_a, xsem_b, *sems):
    gsems = sems[:_NBUF]
    osems = sems[_NBUF:]
    wid = lax.axis_index("s") * _NC + lax.axis_index("c")
    base = wid * _BPW
    ca = pltpu.async_copy(a_hbm.at[pl.ds(base, _BPW)], a_v, xsem_a)
    cb = pltpu.async_copy(b_hbm.at[pl.ds(base, _BPW)], b_v, xsem_b)
    ca.wait()
    cb.wait()

    def compute_idx(c):
        for i in range(_C // _L):
            j = c * (_C // _L) + i
            va = a_v[pl.ds(j * _L, _L)]
            vb = b_v[pl.ds(j * _L, _L)]
            idx_v[c, pl.ds(i * _L, _L)] = va * VOCAB + vb

    def gather(c):
        return pltpu.async_copy(table_hbm.at[idx_v.at[c]], rows_v.at[c % _NBUF],
                                gsems[c % _NBUF])

    g = [None] * _NCHUNK
    o = [None] * _NCHUNK
    for c in range(_GDEPTH):
        compute_idx(c)
        g[c] = gather(c)
    for c in range(_GDEPTH, _NCHUNK):
        compute_idx(c)
    for c in range(_NCHUNK):
        g[c].wait()
        o[c] = pltpu.async_copy(rows_v.at[c % _NBUF],
                                out_hbm.at[pl.ds(base + c * _C, _C)],
                                osems[c % _NBUF])
        nxt = c + _GDEPTH
        if nxt < _NCHUNK:
            if nxt - _NBUF >= 0:
                o[nxt - _NBUF].wait()
            g[nxt] = gather(nxt)
    for c in range(max(0, _NCHUNK - _NBUF), _NCHUNK):
        o[c].wait()


def kernel(x, lookup_table):
    return _lookup(x[:, 0], x[:, 1], lookup_table)

# --- scband reference (transcript-rebuilt; emitter-appended) ---
"""Pipeline reference for scband-direct-lookup-model-14559939133710 (READ-ONLY COPY).

The authoritative reference and input builder live on the scoring server;
editing this copy changes nothing except your own understanding.
"""

import jax, jax.numpy as jnp
import numpy as np

VOCAB = 256
BATCH = 16384


def _build_lookup_table(key):
    # Faithful (vectorized) version of the torch init: randn*0.1 with +0.5 on the
    # 'correct' (a+b) % V logit for each (a,b) row.
    num_comb = VOCAB * VOCAB
    base = jax.random.normal(key, (num_comb, VOCAB), dtype=jnp.float32) * 0.1
    row_idx = jnp.arange(num_comb, dtype=jnp.int32)
    a = row_idx // VOCAB
    b = row_idx % VOCAB
    correct = (a + b) % VOCAB
    table = base.at[row_idx, correct].add(0.5)
    return table


def setup_inputs(seed: int = 0) -> dict:
    key = jax.random.key(seed)
    k1, k2 = jax.random.split(key)
    x = jax.random.randint(k1, (BATCH, 2), 0, VOCAB, dtype=jnp.int32)
    lookup_table = _build_lookup_table(k2)
    return {"x": x, "lookup_table": lookup_table}


def reference(x, lookup_table):
    a = x[:, 0]
    b = x[:, 1]
    indices = a * VOCAB + b
    logits = jnp.take(lookup_table, indices, axis=0)
    return logits

if __name__ == "__main__":
    import jax
    _d = setup_inputs()
    print(jax.jit(kernel)(*tuple(_d.values())))

</pallas_src>

<mosaic_0001>
#map = affine_map<(d0, d1) -> (0)>
#map1 = affine_map<(d0, d1) -> (0, 0)>
module attributes {stable_mosaic.version = 14 : i64} {
  func.func @_lookup(%arg0: i32, %arg1: i32, %arg2: memref<16384xi32, #tpu.memory_space<hbm>>, %arg3: memref<16384xi32, #tpu.memory_space<hbm>>, %arg4: memref<65536x256xf32, #tpu.memory_space<hbm>>, %arg5: memref<16384x256xf32, #tpu.memory_space<hbm>>, %arg6: memref<512xi32, #tpu.memory_space<vmem>>, %arg7: memref<512xi32, #tpu.memory_space<vmem>>, %arg8: memref<8x64xi32, #tpu.memory_space<vmem>>, %arg9: memref<7x64x256xf32, #tpu.memory_space<vmem>>, %arg10: memref<!tpu.dma_semaphore, #tpu.memory_space<semaphore_mem>>, %arg11: memref<!tpu.dma_semaphore, #tpu.memory_space<semaphore_mem>>, %arg12: memref<!tpu.dma_semaphore, #tpu.memory_space<semaphore_mem>>, %arg13: memref<!tpu.dma_semaphore, #tpu.memory_space<semaphore_mem>>, %arg14: memref<!tpu.dma_semaphore, #tpu.memory_space<semaphore_mem>>, %arg15: memref<!tpu.dma_semaphore, #tpu.memory_space<semaphore_mem>>, %arg16: memref<!tpu.dma_semaphore, #tpu.memory_space<semaphore_mem>>, %arg17: memref<!tpu.dma_semaphore, #tpu.memory_space<semaphore_mem>>, %arg18: memref<!tpu.dma_semaphore, #tpu.memory_space<semaphore_mem>>, %arg19: memref<!tpu.dma_semaphore, #tpu.memory_space<semaphore_mem>>, %arg20: memref<!tpu.dma_semaphore, #tpu.memory_space<semaphore_mem>>, %arg21: memref<!tpu.dma_semaphore, #tpu.memory_space<semaphore_mem>>, %arg22: memref<!tpu.dma_semaphore, #tpu.memory_space<semaphore_mem>>, %arg23: memref<!tpu.dma_semaphore, #tpu.memory_space<semaphore_mem>>, %arg24: memref<!tpu.dma_semaphore, #tpu.memory_space<semaphore_mem>>, %arg25: memref<!tpu.dma_semaphore, #tpu.memory_space<semaphore_mem>>) attributes {dimension_semantics = [#tpu.dimension_semantics<core_parallel>, #tpu.dimension_semantics<subcore_parallel>], iteration_bounds = array<i64: 2, 16>, scalar_prefetch = 0 : i64, scratch_operands = 20 : i64, tpu.core_type = #tpu.core_type<sc_vector_subcore>, window_params = [{transform_indices = #map}, {transform_indices = #map}, {transform_indices = #map1}, {transform_indices = #map1}]} {
    %mul3A = arith.constant 2 : i32
    %mul3A_0 = arith.muli %arg1, %mul3A : i32
    %add3A = arith.addi %mul3A_0, %arg0 : i32
    %mul3A_1 = arith.constant 512 : i32
    %mul3A_2 = arith.muli %add3A, %mul3A_1 : i32
    %dma_start3A = tpu.memref_slice %arg2[%mul3A_2] : memref<16384xi32, #tpu.memory_space<hbm>> -> memref<512xi32, #tpu.memory_space<hbm>>
    %dma_start3A_3 = tpu.memref_slice %arg2[%mul3A_2] : memref<16384xi32, #tpu.memory_space<hbm>> -> memref<512xi32, #tpu.memory_space<hbm>>
    tpu.enqueue_dma source(%dma_start3A_3 : memref<512xi32, #tpu.memory_space<hbm>>) target(%arg6 : memref<512xi32, #tpu.memory_space<vmem>>) target_semaphore(%arg10 : memref<!tpu.dma_semaphore, #tpu.memory_space<semaphore_mem>>)
    %dma_start3A_4 = tpu.memref_slice %arg3[%mul3A_2] : memref<16384xi32, #tpu.memory_space<hbm>> -> memref<512xi32, #tpu.memory_space<hbm>>
    %dma_start3A_5 = tpu.memref_slice %arg3[%mul3A_2] : memref<16384xi32, #tpu.memory_space<hbm>> -> memref<512xi32, #tpu.memory_space<hbm>>
    tpu.enqueue_dma source(%dma_start3A_5 : memref<512xi32, #tpu.memory_space<hbm>>) target(%arg7 : memref<512xi32, #tpu.memory_space<vmem>>) target_semaphore(%arg11 : memref<!tpu.dma_semaphore, #tpu.memory_space<semaphore_mem>>)
    %dma_wait3A = tpu.memref_slice %arg2[%mul3A_2] : memref<16384xi32, #tpu.memory_space<hbm>> -> memref<512xi32, #tpu.memory_space<hbm>>
    %dma_wait3A_6 = tpu.memref_slice %arg2[%mul3A_2] : memref<16384xi32, #tpu.memory_space<hbm>> -> memref<512xi32, #tpu.memory_space<hbm>>
    tpu.wait_dma2 semaphore(%arg10 : memref<!tpu.dma_semaphore, #tpu.memory_space<semaphore_mem>>) src(%dma_wait3A_6 : memref<512xi32, #tpu.memory_space<hbm>>) dst(%arg6 : memref<512xi32, #tpu.memory_space<vmem>>)
    %dma_wait3A_7 = tpu.memref_slice %arg3[%mul3A_2] : memref<16384xi32, #tpu.memory_space<hbm>> -> memref<512xi32, #tpu.memory_space<hbm>>
    %dma_wait3A_8 = tpu.memref_slice %arg3[%mul3A_2] : memref<16384xi32, #tpu.memory_space<hbm>> -> memref<512xi32, #tpu.memory_space<hbm>>
    tpu.wait_dma2 semaphore(%arg11 : memref<!tpu.dma_semaphore, #tpu.memory_space<semaphore_mem>>) src(%dma_wait3A_8 : memref<512xi32, #tpu.memory_space<hbm>>) dst(%arg7 : memref<512xi32, #tpu.memory_space<vmem>>)
    %get3A = arith.constant 0 : index
    %get3A_9 = tpu.vector_load %arg6[%get3A] {strides = array<i32>} : memref<512xi32, #tpu.memory_space<vmem>>, vector<16xi32>,
    %get3A_10 = vector.shape_cast %get3A_9 : vector<16xi32> to vector<16xi32>
    %get3A_11 = arith.constant 0 : index
    %get3A_12 = tpu.vector_load %arg7[%get3A_11] {strides = array<i32>} : memref<512xi32, #tpu.memory_space<vmem>>, vector<16xi32>,
    %get3A_13 = vector.shape_cast %get3A_12 : vector<16xi32> to vector<16xi32>
    %mul3A_14 = arith.constant 256 : i32
    %mul3A_15 = vector.broadcast %mul3A_14 : i32 to vector<16xi32>
    %mul3A_16 = arith.muli %get3A_10, %mul3A_15 : vector<16xi32>
    %add3A_17 = arith.addi %mul3A_16, %get3A_13 : vector<16xi32>
    %swap3A = arith.constant 0 : i32
    %swap3A_18 = arith.index_cast %swap3A : i32 to index
    %swap3A_19 = arith.constant 0 : index
    %swap3A_20 = tpu.vector_load %arg8[%swap3A_18, %swap3A_19] {strides = array<i32>} : memref<8x64xi32, #tpu.memory_space<vmem>>, vector<1x16xi32>,
    %swap3A_21 = vector.shape_cast %swap3A_20 : vector<1x16xi32> to vector<16xi32>
    %swap3A_22 = vector.shape_cast %add3A_17 : vector<16xi32> to vector<1x16xi32>
    tpu.vector_store %arg8[%swap3A_18, %swap3A_19], %swap3A_22 {strides = array<i32>} : memref<8x64xi32, #tpu.memory_space<vmem>>, vector<1x16xi32>,
    %get3A_23 = arith.constant 16 : index
    %get3A_24 = tpu.vector_load %arg6[%get3A_23] {strides = array<i32>} : memref<512xi32, #tpu.memory_space<vmem>>, vector<16xi32>,
    %get3A_25 = vector.shape_cast %get3A_24 : vector<16xi32> to vector<16xi32>
    %get3A_26 = arith.constant 16 : index
    %get3A_27 = tpu.vector_load %arg7[%get3A_26] {strides = array<i32>} : memref<512xi32, #tpu.memory_space<vmem>>, vector<16xi32>,
    %get3A_28 = vector.shape_cast %get3A_27 : vector<16xi32> to vector<16xi32>
    %mul3A_29 = arith.constant 256 : i32
    %mul3A_30 = vector.broadcast %mul3A_29 : i32 to vector<16xi32>
    %mul3A_31 = arith.muli %get3A_25, %mul3A_30 : vector<16xi32>
    %add3A_32 = arith.addi %mul3A_31, %get3A_28 : vector<16xi32>
    %swap3A_33 = arith.constant 0 : i32
    %swap3A_34 = arith.index_cast %swap3A_33 : i32 to index
    %swap3A_35 = arith.constant 16 : index
    %swap3A_36 = tpu.vector_load %arg8[%swap3A_34, %swap3A_35] {strides = array<i32>} : memref<8x64xi32, #tpu.memory_space<vmem>>, vector<1x16xi32>,
    %swap3A_37 = vector.shape_cast %swap3A_36 : vector<1x16xi32> to vector<16xi32>
    %swap3A_38 = vector.shape_cast %add3A_32 : vector<16xi32> to vector<1x16xi32>
    tpu.vector_store %arg8[%swap3A_34, %swap3A_35], %swap3A_38 {strides = array<i32>} : memref<8x64xi32, #tpu.memory_space<vmem>>, vector<1x16xi32>,
    %get3A_39 = arith.constant 32 : index
    %get3A_40 = tpu.vector_load %arg6[%get3A_39] {strides = array<i32>} : memref<512xi32, #tpu.memory_space<vmem>>, vector<16xi32>,
    %get3A_41 = vector.shape_cast %get3A_40 : vector<16xi32> to vector<16xi32>
    %get3A_42 = arith.constant 32 : index
    %get3A_43 = tpu.vector_load %arg7[%get3A_42] {strides = array<i32>} : memref<512xi32, #tpu.memory_space<vmem>>, vector<16xi32>,
    %get3A_44 = vector.shape_cast %get3A_43 : vector<16xi32> to vector<16xi32>
    %mul3A_45 = arith.constant 256 : i32
    %mul3A_46 = vector.broadcast %mul3A_45 : i32 to vector<16xi32>
    %mul3A_47 = arith.muli %get3A_41, %mul3A_46 : vector<16xi32>
    %add3A_48 = arith.addi %mul3A_47, %get3A_44 : vector<16xi32>
    %swap3A_49 = arith.constant 0 : i32
    %swap3A_50 = arith.index_cast %swap3A_49 : i32 to index
    %swap3A_51 = arith.constant 32 : index
    %swap3A_52 = tpu.vector_load %arg8[%swap3A_50, %swap3A_51] {strides = array<i32>} : memref<8x64xi32, #tpu.memory_space<vmem>>, vector<1x16xi32>,
    %swap3A_53 = vector.shape_cast %swap3A_52 : vector<1x16xi32> to vector<16xi32>
    %swap3A_54 = vector.shape_cast %add3A_48 : vector<16xi32> to vector<1x16xi32>
    tpu.vector_store %arg8[%swap3A_50, %swap3A_51], %swap3A_54 {strides = array<i32>} : memref<8x64xi32, #tpu.memory_space<vmem>>, vector<1x16xi32>,
    %get3A_55 = arith.constant 48 : index
    %get3A_56 = tpu.vector_load %arg6[%get3A_55] {strides = array<i32>} : memref<512xi32, #tpu.memory_space<vmem>>, vector<16xi32>,
    %get3A_57 = vector.shape_cast %get3A_56 : vector<16xi32> to vector<16xi32>
    %get3A_58 = arith.constant 48 : index
    %get3A_59 = tpu.vector_load %arg7[%get3A_58] {strides = array<i32>} : memref<512xi32, #tpu.memory_space<vmem>>, vector<16xi32>,
    %get3A_60 = vector.shape_cast %get3A_59 : vector<16xi32> to vector<16xi32>
    %mul3A_61 = arith.constant 256 : i32
    %mul3A_62 = vector.broadcast %mul3A_61 : i32 to vector<16xi32>
    %mul3A_63 = arith.muli %get3A_57, %mul3A_62 : vector<16xi32>
    %add3A_64 = arith.addi %mul3A_63, %get3A_60 : vector<16xi32>
    %swap3A_65 = arith.constant 0 : i32
    %swap3A_66 = arith.index_cast %swap3A_65 : i32 to index
    %swap3A_67 = arith.constant 48 : index
    %swap3A_68 = tpu.vector_load %arg8[%swap3A_66, %swap3A_67] {strides = array<i32>} : memref<8x64xi32, #tpu.memory_space<vmem>>, vector<1x16xi32>,
    %swap3A_69 = vector.shape_cast %swap3A_68 : vector<1x16xi32> to vector<16xi32>
    %swap3A_70 = vector.shape_cast %add3A_64 : vector<16xi32> to vector<1x16xi32>
    tpu.vector_store %arg8[%swap3A_66, %swap3A_67], %swap3A_70 {strides = array<i32>} : memref<8x64xi32, #tpu.memory_space<vmem>>, vector<1x16xi32>,
    %dma_start3A_71 = arith.constant 0 : i32
    %dma_start3A_72 = arith.constant 0 : i32
    %dma_start3A_73 = arith.constant 0 : i32
    %dma_start3A_74 = arith.constant 0 : i32
    %dma_start3A_75 = tpu.memref_slice %arg9[%dma_start3A_72, %dma_start3A_73, %dma_start3A_74] : memref<7x64x256xf32, #tpu.memory_space<vmem>> -> memref<1x64x256xf32, #tpu.memory_space<vmem>>
    %dma_start3A_76 = tpu.memref_squeeze %dma_start3A_75 : memref<1x64x256xf32, #tpu.memory_space<vmem>> -> memref<64x256xf32, #tpu.memory_space<vmem>>
    %dma_start3A_77 = arith.constant 0 : i32
    %dma_start3A_78 = tpu.memref_slice %arg8[%dma_start3A_71, %dma_start3A_77] : memref<8x64xi32, #tpu.memory_space<vmem>> -> memref<1x64xi32, #tpu.memory_space<vmem>>
    %dma_start3A_79 = tpu.memref_squeeze %dma_start3A_78 : memref<1x64xi32, #tpu.memory_space<vmem>> -> memref<64xi32, #tpu.memory_space<vmem>>
    %dma_start3A_80 = arith.constant 0 : i32
    %dma_start3A_81 = arith.constant 0 : i32
    %dma_start3A_82 = tpu.memref_slice %arg4[%dma_start3A_80, %dma_start3A_81] : memref<65536x256xf32, #tpu.memory_space<hbm>> -> memref<65536x256xf32, #tpu.memory_space<hbm>>
    tpu.enqueue_indirect_dma source(%dma_start3A_82 : memref<65536x256xf32, #tpu.memory_space<hbm>>) target(%dma_start3A_76 : memref<64x256xf32, #tpu.memory_space<vmem>>) offsets(%dma_start3A_79 : memref<64xi32, #tpu.memory_space<vmem>>) semaphore(%arg12 : memref<!tpu.dma_semaphore, #tpu.memory_space<semaphore_mem>>)
    %get3A_83 = arith.constant 64 : index
    %get3A_84 = tpu.vector_load %arg6[%get3A_83] {strides = array<i32>} : memref<512xi32, #tpu.memory_space<vmem>>, vector<16xi32>,
    %get3A_85 = vector.shape_cast %get3A_84 : vector<16xi32> to vector<16xi32>
    %get3A_86 = arith.constant 64 : index
    %get3A_87 = tpu.vector_load %arg7[%get3A_86] {strides = array<i32>} : memref<512xi32, #tpu.memory_space<vmem>>, vector<16xi32>,
    %get3A_88 = vector.shape_cast %get3A_87 : vector<16xi32> to vector<16xi32>
    %mul3A_89 = arith.constant 256 : i32
    %mul3A_90 = vector.broadcast %mul3A_89 : i32 to vector<16xi32>
    %mul3A_91 = arith.muli %get3A_85, %mul3A_90 : vector<16xi32>
    %add3A_92 = arith.addi %mul3A_91, %get3A_88 : vector<16xi32>
    %swap3A_93 = arith.constant 1 : i32
    %swap3A_94 = arith.index_cast %swap3A_93 : i32 to index
    %swap3A_95 = arith.constant 0 : index
    %swap3A_96 = tpu.vector_load %arg8[%swap3A_94, %swap3A_95] {strides = array<i32>} : memref<8x64xi32, #tpu.memory_space<vmem>>, vector<1x16xi32>,
    %swap3A_97 = vector.shape_cast %swap3A_96 : vector<1x16xi32> to vector<16xi32>
    %swap3A_98 = vector.shape_cast %add3A_92 : vector<16xi32> to vector<1x16xi32>
    tpu.vector_store %arg8[%swap3A_94, %swap3A_95], %swap3A_98 {strides = array<i32>} : memref<8x64xi32, #tpu.memory_space<vmem>>, vector<1x16xi32>,
    %get3A_99 = arith.constant 80 : index
    %get3A_100 = tpu.vector_load %arg6[%get3A_99] {strides = array<i32>} : memref<512xi32, #tpu.memory_space<vmem>>, vector<16xi32>,
    %get3A_101 = vector.shape_cast %get3A_100 : vector<16xi32> to vector<16xi32>
    %get3A_102 = arith.constant 80 : index
    %get3A_103 = tpu.vector_load %arg7[%get3A_102] {strides = array<i32>} : memref<512xi32, #tpu.memory_space<vmem>>, vector<16xi32>,
    %get3A_104 = vector.shape_cast %get3A_103 : vector<16xi32> to vector<16xi32>
    %mul3A_105 = arith.constant 256 : i32
    %mul3A_106 = vector.broadcast %mul3A_105 : i32 to vector<16xi32>
    %mul3A_107 = arith.muli %get3A_101, %mul3A_106 : vector<16xi32>
    %add3A_108 = arith.addi %mul3A_107, %get3A_104 : vector<16xi32>
    %swap3A_109 = arith.constant 1 : i32
    %swap3A_110 = arith.index_cast %swap3A_109 : i32 to index
    %swap3A_111 = arith.constant 16 : index
    %swap3A_112 = tpu.vector_load %arg8[%swap3A_110, %swap3A_111] {strides = array<i32>} : memref<8x64xi32, #tpu.memory_space<vmem>>, vector<1x16xi32>,
    %swap3A_113 = vector.shape_cast %swap3A_112 : vector<1x16xi32> to vector<16xi32>
    %swap3A_114 = vector.shape_cast %add3A_108 : vector<16xi32> to vector<1x16xi32>
    tpu.vector_store %arg8[%swap3A_110, %swap3A_111], %swap3A_114 {strides = array<i32>} : memref<8x64xi32, #tpu.memory_space<vmem>>, vector<1x16xi32>,
    %get3A_115 = arith.constant 96 : index
    %get3A_116 = tpu.vector_load %arg6[%get3A_115] {strides = array<i32>} : memref<512xi32, #tpu.memory_space<vmem>>, vector<16xi32>,
    %get3A_117 = vector.shape_cast %get3A_116 : vector<16xi32> to vector<16xi32>
    %get3A_118 = arith.constant 96 : index
    %get3A_119 = tpu.vector_load %arg7[%get3A_118] {strides = array<i32>} : memref<512xi32, #tpu.memory_space<vmem>>, vector<16xi32>,
    %get3A_120 = vector.shape_cast %get3A_119 : vector<16xi32> to vector<16xi32>
    %mul3A_121 = arith.constant 256 : i32
    %mul3A_122 = vector.broadcast %mul3A_121 : i32 to vector<16xi32>
    %mul3A_123 = arith.muli %get3A_117, %mul3A_122 : vector<16xi32>
    %add3A_124 = arith.addi %mul3A_123, %get3A_120 : vector<16xi32>
    %swap3A_125 = arith.constant 1 : i32
    %swap3A_126 = arith.index_cast %swap3A_125 : i32 to index
    %swap3A_127 = arith.constant 32 : index
    %swap3A_128 = tpu.vector_load %arg8[%swap3A_126, %swap3A_127] {strides = array<i32>} : memref<8x64xi32, #tpu.memory_space<vmem>>, vector<1x16xi32>,
    %swap3A_129 = vector.shape_cast %swap3A_128 : vector<1x16xi32> to vector<16xi32>
    %swap3A_130 = vector.shape_cast %add3A_124 : vector<16xi32> to vector<1x16xi32>
    tpu.vector_store %arg8[%swap3A_126, %swap3A_127], %swap3A_130 {strides = array<i32>} : memref<8x64xi32, #tpu.memory_space<vmem>>, vector<1x16xi32>,
    %get3A_131 = arith.constant 112 : index
    %get3A_132 = tpu.vector_load %arg6[%get3A_131] {strides = array<i32>} : memref<512xi32, #tpu.memory_space<vmem>>, vector<16xi32>,
    %get3A_133 = vector.shape_cast %get3A_132 : vector<16xi32> to vector<16xi32>
    %get3A_134 = arith.constant 112 : index
    %get3A_135 = tpu.vector_load %arg7[%get3A_134] {strides = array<i32>} : memref<512xi32, #tpu.memory_space<vmem>>, vector<16xi32>,
    %get3A_136 = vector.shape_cast %get3A_135 : vector<16xi32> to vector<16xi32>
    %mul3A_137 = arith.constant 256 : i32
    %mul3A_138 = vector.broadcast %mul3A_137 : i32 to vector<16xi32>
    %mul3A_139 = arith.muli %get3A_133, %mul3A_138 : vector<16xi32>
    %add3A_140 = arith.addi %mul3A_139, %get3A_136 : vector<16xi32>
    %swap3A_141 = arith.constant 1 : i32
    %swap3A_142 = arith.index_cast %swap3A_141 : i32 to index
    %swap3A_143 = arith.constant 48 : index
    %swap3A_144 = tpu.vector_load %arg8[%swap3A_142, %swap3A_143] {strides = array<i32>} : memref<8x64xi32, #tpu.memory_space<vmem>>, vector<1x16xi32>,
    %swap3A_145 = vector.shape_cast %swap3A_144 : vector<1x16xi32> to vector<16xi32>
    %swap3A_146 = vector.shape_cast %add3A_140 : vector<16xi32> to vector<1x16xi32>
    tpu.vector_store %arg8[%swap3A_142, %swap3A_143], %swap3A_146 {strides = array<i32>} : memref<8x64xi32, #tpu.memory_space<vmem>>, vector<1x16xi32>,
    %dma_start3A_147 = arith.constant 1 : i32
    %dma_start3A_148 = arith.constant 1 : i32
    %dma_start3A_149 = arith.constant 0 : i32
    %dma_start3A_150 = arith.constant 0 : i32
    %dma_start3A_151 = tpu.memref_slice %arg9[%dma_start3A_148, %dma_start3A_149, %dma_start3A_150] : memref<7x64x256xf32, #tpu.memory_space<vmem>> -> memref<1x64x256xf32, #tpu.memory_space<vmem>>
    %dma_start3A_152 = tpu.memref_squeeze %dma_start3A_151 : memref<1x64x256xf32, #tpu.memory_space<vmem>> -> memref<64x256xf32, #tpu.memory_space<vmem>>
    %dma_start3A_153 = arith.constant 0 : i32
    %dma_start3A_154 = tpu.memref_slice %arg8[%dma_start3A_147, %dma_start3A_153] : memref<8x64xi32, #tpu.memory_space<vmem>> -> memref<1x64xi32, #tpu.memory_space<vmem>>
    %dma_start3A_155 = tpu.memref_squeeze %dma_start3A_154 : memref<1x64xi32, #tpu.memory_space<vmem>> -> memref<64xi32, #tpu.memory_space<vmem>>
    %dma_start3A_156 = arith.constant 0 : i32
    %dma_start3A_157 = arith.constant 0 : i32
    %dma_start3A_158 = tpu.memref_slice %arg4[%dma_start3A_156, %dma_start3A_157] : memref<65536x256xf32, #tpu.memory_space<hbm>> -> memref<65536x256xf32, #tpu.memory_space<hbm>>
    tpu.enqueue_indirect_dma source(%dma_start3A_158 : memref<65536x256xf32, #tpu.memory_space<hbm>>) target(%dma_start3A_152 : memref<64x256xf32, #tpu.memory_space<vmem>>) offsets(%dma_start3A_155 : memref<64xi32, #tpu.memory_space<vmem>>) semaphore(%arg13 : memref<!tpu.dma_semaphore, #tpu.memory_space<semaphore_mem>>)
    %get3A_159 = arith.constant 128 : index
    %get3A_160 = tpu.vector_load %arg6[%get3A_159] {strides = array<i32>} : memref<512xi32, #tpu.memory_space<vmem>>, vector<16xi32>,
    %get3A_161 = vector.shape_cast %get3A_160 : vector<16xi32> to vector<16xi32>
    %get3A_162 = arith.constant 128 : index
    %get3A_163 = tpu.vector_load %arg7[%get3A_162] {strides = array<i32>} : memref<512xi32, #tpu.memory_space<vmem>>, vector<16xi32>,
    %get3A_164 = vector.shape_cast %get3A_163 : vector<16xi32> to vector<16xi32>
    %mul3A_165 = arith.constant 256 : i32
    %mul3A_166 = vector.broadcast %mul3A_165 : i32 to vector<16xi32>
    %mul3A_167 = arith.muli %get3A_161, %mul3A_166 : vector<16xi32>
    %add3A_168 = arith.addi %mul3A_167, %get3A_164 : vector<16xi32>
    %swap3A_169 = arith.constant 2 : i32
    %swap3A_170 = arith.index_cast %swap3A_169 : i32 to index
    %swap3A_171 = arith.constant 0 : index
    %swap3A_172 = tpu.vector_load %arg8[%swap3A_170, %swap3A_171] {strides = array<i32>} : memref<8x64xi32, #tpu.memory_space<vmem>>, vector<1x16xi32>,
    %swap3A_173 = vector.shape_cast %swap3A_172 : vector<1x16xi32> to vector<16xi32>
    %swap3A_174 = vector.shape_cast %add3A_168 : vector<16xi32> to vector<1x16xi32>
    tpu.vector_store %arg8[%swap3A_170, %swap3A_171], %swap3A_174 {strides = array<i32>} : memref<8x64xi32, #tpu.memory_space<vmem>>, vector<1x16xi32>,
    %get3A_175 = arith.constant 144 : index
    %get3A_176 = tpu.vector_load %arg6[%get3A_175] {strides = array<i32>} : memref<512xi32, #tpu.memory_space<vmem>>, vector<16xi32>,
    %get3A_177 = vector.shape_cast %get3A_176 : vector<16xi32> to vector<16xi32>
    %get3A_178 = arith.constant 144 : index
    %get3A_179 = tpu.vector_load %arg7[%get3A_178] {strides = array<i32>} : memref<512xi32, #tpu.memory_space<vmem>>, vector<16xi32>,
    %get3A_180 = vector.shape_cast %get3A_179 : vector<16xi32> to vector<16xi32>
    %mul3A_181 = arith.constant 256 : i32
    %mul3A_182 = vector.broadcast %mul3A_181 : i32 to vector<16xi32>
    %mul3A_183 = arith.muli %get3A_177, %mul3A_182 : vector<16xi32>
    %add3A_184 = arith.addi %mul3A_183, %get3A_180 : vector<16xi32>
    %swap3A_185 = arith.constant 2 : i32
    %swap3A_186 = arith.index_cast %swap3A_185 : i32 to index
    %swap3A_187 = arith.constant 16 : index
    %swap3A_188 = tpu.vector_load %arg8[%swap3A_186, %swap3A_187] {strides = array<i32>} : memref<8x64xi32, #tpu.memory_space<vmem>>, vector<1x16xi32>,
    %swap3A_189 = vector.shape_cast %swap3A_188 : vector<1x16xi32> to vector<16xi32>
    %swap3A_190 = vector.shape_cast %add3A_184 : vector<16xi32> to vector<1x16xi32>
    tpu.vector_store %arg8[%swap3A_186, %swap3A_187], %swap3A_190 {strides = array<i32>} : memref<8x64xi32, #tpu.memory_space<vmem>>, vector<1x16xi32>,
    %get3A_191 = arith.constant 160 : index
    %get3A_192 = tpu.vector_load %arg6[%get3A_191] {strides = array<i32>} : memref<512xi32, #tpu.memory_space<vmem>>, vector<16xi32>,
    %get3A_193 = vector.shape_cast %get3A_192 : vector<16xi32> to vector<16xi32>
    %get3A_194 = arith.constant 160 : index
    %get3A_195 = tpu.vector_load %arg7[%get3A_194] {strides = array<i32>} : memref<512xi32, #tpu.memory_space<vmem>>, vector<16xi32>,
    %get3A_196 = vector.shape_cast %get3A_195 : vector<16xi32> to vector<16xi32>
    %mul3A_197 = arith.constant 256 : i32
    %mul3A_198 = vector.broadcast %mul3A_197 : i32 to vector<16xi32>
    %mul3A_199 = arith.muli %get3A_193, %mul3A_198 : vector<16xi32>
    %add3A_200 = arith.addi %mul3A_199, %get3A_196 : vector<16xi32>
    %swap3A_201 = arith.constant 2 : i32
    %swap3A_202 = arith.index_cast %swap3A_201 : i32 to index
    %swap3A_203 = arith.constant 32 : index
    %swap3A_204 = tpu.vector_load %arg8[%swap3A_202, %swap3A_203] {strides = array<i32>} : memref<8x64xi32, #tpu.memory_space<vmem>>, vector<1x16xi32>,
    %swap3A_205 = vector.shape_cast %swap3A_204 : vector<1x16xi32> to vector<16xi32>
    %swap3A_206 = vector.shape_cast %add3A_200 : vector<16xi32> to vector<1x16xi32>
    tpu.vector_store %arg8[%swap3A_202, %swap3A_203], %swap3A_206 {strides = array<i32>} : memref<8x64xi32, #tpu.memory_space<vmem>>, vector<1x16xi32>,
    %get3A_207 = arith.constant 176 : index
    %get3A_208 = tpu.vector_load %arg6[%get3A_207] {strides = array<i32>} : memref<512xi32, #tpu.memory_space<vmem>>, vector<16xi32>,
    %get3A_209 = vector.shape_cast %get3A_208 : vector<16xi32> to vector<16xi32>
    %get3A_210 = arith.constant 176 : index
    %get3A_211 = tpu.vector_load %arg7[%get3A_210] {strides = array<i32>} : memref<512xi32, #tpu.memory_space<vmem>>, vector<16xi32>,
    %get3A_212 = vector.shape_cast %get3A_211 : vector<16xi32> to vector<16xi32>
    %mul3A_213 = arith.constant 256 : i32
    %mul3A_214 = vector.broadcast %mul3A_213 : i32 to vector<16xi32>
    %mul3A_215 = arith.muli %get3A_209, %mul3A_214 : vector<16xi32>
    %add3A_216 = arith.addi %mul3A_215, %get3A_212 : vector<16xi32>
    %swap3A_217 = arith.constant 2 : i32
    %swap3A_218 = arith.index_cast %swap3A_217 : i32 to index
    %swap3A_219 = arith.constant 48 : index
    %swap3A_220 = tpu.vector_load %arg8[%swap3A_218, %swap3A_219] {strides = array<i32>} : memref<8x64xi32, #tpu.memory_space<vmem>>, vector<1x16xi32>,
    %swap3A_221 = vector.shape_cast %swap3A_220 : vector<1x16xi32> to vector<16xi32>
    %swap3A_222 = vector.shape_cast %add3A_216 : vector<16xi32> to vector<1x16xi32>
    tpu.vector_store %arg8[%swap3A_218, %swap3A_219], %swap3A_222 {strides = array<i32>} : memref<8x64xi32, #tpu.memory_space<vmem>>, vector<1x16xi32>,
    %dma_start3A_223 = arith.constant 2 : i32
    %dma_start3A_224 = arith.constant 2 : i32
    %dma_start3A_225 = arith.constant 0 : i32
    %dma_start3A_226 = arith.constant 0 : i32
    %dma_start3A_227 = tpu.memref_slice %arg9[%dma_start3A_224, %dma_start3A_225, %dma_start3A_226] : memref<7x64x256xf32, #tpu.memory_space<vmem>> -> memref<1x64x256xf32, #tpu.memory_space<vmem>>
    %dma_start3A_228 = tpu.memref_squeeze %dma_start3A_227 : memref<1x64x256xf32, #tpu.memory_space<vmem>> -> memref<64x256xf32, #tpu.memory_space<vmem>>
    %dma_start3A_229 = arith.constant 0 : i32
    %dma_start3A_230 = tpu.memref_slice %arg8[%dma_start3A_223, %dma_start3A_229] : memref<8x64xi32, #tpu.memory_space<vmem>> -> memref<1x64xi32, #tpu.memory_space<vmem>>
    %dma_start3A_231 = tpu.memref_squeeze %dma_start3A_230 : memref<1x64xi32, #tpu.memory_space<vmem>> -> memref<64xi32, #tpu.memory_space<vmem>>
    %dma_start3A_232 = arith.constant 0 : i32
    %dma_start3A_233 = arith.constant 0 : i32
    %dma_start3A_234 = tpu.memref_slice %arg4[%dma_start3A_232, %dma_start3A_233] : memref<65536x256xf32, #tpu.memory_space<hbm>> -> memref<65536x256xf32, #tpu.memory_space<hbm>>
    tpu.enqueue_indirect_dma source(%dma_start3A_234 : memref<65536x256xf32, #tpu.memory_space<hbm>>) target(%dma_start3A_228 : memref<64x256xf32, #tpu.memory_space<vmem>>) offsets(%dma_start3A_231 : memref<64xi32, #tpu.memory_space<vmem>>) semaphore(%arg14 : memref<!tpu.dma_semaphore, #tpu.memory_space<semaphore_mem>>)
    %get3A_235 = arith.constant 192 : index
    %get3A_236 = tpu.vector_load %arg6[%get3A_235] {strides = array<i32>} : memref<512xi32, #tpu.memory_space<vmem>>, vector<16xi32>,
    %get3A_237 = vector.shape_cast %get3A_236 : vector<16xi32> to vector<16xi32>
    %get3A_238 = arith.constant 192 : index
    %get3A_239 = tpu.vector_load %arg7[%get3A_238] {strides = array<i32>} : memref<512xi32, #tpu.memory_space<vmem>>, vector<16xi32>,
    %get3A_240 = vector.shape_cast %get3A_239 : vector<16xi32> to vector<16xi32>
    %mul3A_241 = arith.constant 256 : i32
    %mul3A_242 = vector.broadcast %mul3A_241 : i32 to vector<16xi32>
    %mul3A_243 = arith.muli %get3A_237, %mul3A_242 : vector<16xi32>
    %add3A_244 = arith.addi %mul3A_243, %get3A_240 : vector<16xi32>
    %swap3A_245 = arith.constant 3 : i32
    %swap3A_246 = arith.index_cast %swap3A_245 : i32 to index
    %swap3A_247 = arith.constant 0 : index
    %swap3A_248 = tpu.vector_load %arg8[%swap3A_246, %swap3A_247] {strides = array<i32>} : memref<8x64xi32, #tpu.memory_space<vmem>>, vector<1x16xi32>,
    %swap3A_249 = vector.shape_cast %swap3A_248 : vector<1x16xi32> to vector<16xi32>
    %swap3A_250 = vector.shape_cast %add3A_244 : vector<16xi32> to vector<1x16xi32>
    tpu.vector_store %arg8[%swap3A_246, %swap3A_247], %swap3A_250 {strides = array<i32>} : memref<8x64xi32, #tpu.memory_space<vmem>>, vector<1x16xi32>,
    %get3A_251 = arith.constant 208 : index
    %get3A_252 = tpu.vector_load %arg6[%get3A_251] {strides = array<i32>} : memref<512xi32, #tpu.memory_space<vmem>>, vector<16xi32>,
    %get3A_253 = vector.shape_cast %get3A_252 : vector<16xi32> to vector<16xi32>
    %get3A_254 = arith.constant 208 : index
    %get3A_255 = tpu.vector_load %arg7[%get3A_254] {strides = array<i32>} : memref<512xi32, #tpu.memory_space<vmem>>, vector<16xi32>,
    %get3A_256 = vector.shape_cast %get3A_255 : vector<16xi32> to vector<16xi32>
    %mul3A_257 = arith.constant 256 : i32
    %mul3A_258 = vector.broadcast %mul3A_257 : i32 to vector<16xi32>
    %mul3A_259 = arith.muli %get3A_253, %mul3A_258 : vector<16xi32>
    %add3A_260 = arith.addi %mul3A_259, %get3A_256 : vector<16xi32>
    %swap3A_261 = arith.constant 3 : i32
    %swap3A_262 = arith.index_cast %swap3A_261 : i32 to index
    %swap3A_263 = arith.constant 16 : index
    %swap3A_264 = tpu.vector_load %arg8[%swap3A_262, %swap3A_263] {strides = array<i32>} : memref<8x64xi32, #tpu.memory_space<vmem>>, vector<1x16xi32>,
    %swap3A_265 = vector.shape_cast %swap3A_264 : vector<1x16xi32> to vector<16xi32>
    %swap3A_266 = vector.shape_cast %add3A_260 : vector<16xi32> to vector<1x16xi32>
    tpu.vector_store %arg8[%swap3A_262, %swap3A_263], %swap3A_266 {strides = array<i32>} : memref<8x64xi32, #tpu.memory_space<vmem>>, vector<1x16xi32>,
    %get3A_267 = arith.constant 224 : index
    %get3A_268 = tpu.vector_load %arg6[%get3A_267] {strides = array<i32>} : memref<512xi32, #tpu.memory_space<vmem>>, vector<16xi32>,
    %get3A_269 = vector.shape_cast %get3A_268 : vector<16xi32> to vector<16xi32>
    %get3A_270 = arith.constant 224 : index
    %get3A_271 = tpu.vector_load %arg7[%get3A_270] {strides = array<i32>} : memref<512xi32, #tpu.memory_space<vmem>>, vector<16xi32>,
    %get3A_272 = vector.shape_cast %get3A_271 : vector<16xi32> to vector<16xi32>
    %mul3A_273 = arith.constant 256 : i32
    %mul3A_274 = vector.broadcast %mul3A_273 : i32 to vector<16xi32>
    %mul3A_275 = arith.muli %get3A_269, %mul3A_274 : vector<16xi32>
    %add3A_276 = arith.addi %mul3A_275, %get3A_272 : vector<16xi32>
    %swap3A_277 = arith.constant 3 : i32
    %swap3A_278 = arith.index_cast %swap3A_277 : i32 to index
    %swap3A_279 = arith.constant 32 : index
    %swap3A_280 = tpu.vector_load %arg8[%swap3A_278, %swap3A_279] {strides = array<i32>} : memref<8x64xi32, #tpu.memory_space<vmem>>, vector<1x16xi32>,
    %swap3A_281 = vector.shape_cast %swap3A_280 : vector<1x16xi32> to vector<16xi32>
    %swap3A_282 = vector.shape_cast %add3A_276 : vector<16xi32> to vector<1x16xi32>
    tpu.vector_store %arg8[%swap3A_278, %swap3A_279], %swap3A_282 {strides = array<i32>} : memref<8x64xi32, #tpu.memory_space<vmem>>, vector<1x16xi32>,
    %get3A_283 = arith.constant 240 : index
    %get3A_284 = tpu.vector_load %arg6[%get3A_283] {strides = array<i32>} : memref<512xi32, #tpu.memory_space<vmem>>, vector<16xi32>,
    %get3A_285 = vector.shape_cast %get3A_284 : vector<16xi32> to vector<16xi32>
    %get3A_286 = arith.constant 240 : index
    %get3A_287 = tpu.vector_load %arg7[%get3A_286] {strides = array<i32>} : memref<512xi32, #tpu.memory_space<vmem>>, vector<16xi32>,
    %get3A_288 = vector.shape_cast %get3A_287 : vector<16xi32> to vector<16xi32>
    %mul3A_289 = arith.constant 256 : i32
    %mul3A_290 = vector.broadcast %mul3A_289 : i32 to vector<16xi32>
    %mul3A_291 = arith.muli %get3A_285, %mul3A_290 : vector<16xi32>
    %add3A_292 = arith.addi %mul3A_291, %get3A_288 : vector<16xi32>
    %swap3A_293 = arith.constant 3 : i32
    %swap3A_294 = arith.index_cast %swap3A_293 : i32 to index
    %swap3A_295 = arith.constant 48 : index
    %swap3A_296 = tpu.vector_load %arg8[%swap3A_294, %swap3A_295] {strides = array<i32>} : memref<8x64xi32, #tpu.memory_space<vmem>>, vector<1x16xi32>,
    %swap3A_297 = vector.shape_cast %swap3A_296 : vector<1x16xi32> to vector<16xi32>
    %swap3A_298 = vector.shape_cast %add3A_292 : vector<16xi32> to vector<1x16xi32>
    tpu.vector_store %arg8[%swap3A_294, %swap3A_295], %swap3A_298 {strides = array<i32>} : memref<8x64xi32, #tpu.memory_space<vmem>>, vector<1x16xi32>,
    %dma_start3A_299 = arith.constant 3 : i32
    %dma_start3A_300 = arith.constant 3 : i32
    %dma_start3A_301 = arith.constant 0 : i32
    %dma_start3A_302 = arith.constant 0 : i32
    %dma_start3A_303 = tpu.memref_slice %arg9[%dma_start3A_300, %dma_start3A_301, %dma_start3A_302] : memref<7x64x256xf32, #tpu.memory_space<vmem>> -> memref<1x64x256xf32, #tpu.memory_space<vmem>>
    %dma_start3A_304 = tpu.memref_squeeze %dma_start3A_303 : memref<1x64x256xf32, #tpu.memory_space<vmem>> -> memref<64x256xf32, #tpu.memory_space<vmem>>
    %dma_start3A_305 = arith.constant 0 : i32
    %dma_start3A_306 = tpu.memref_slice %arg8[%dma_start3A_299, %dma_start3A_305] : memref<8x64xi32, #tpu.memory_space<vmem>> -> memref<1x64xi32, #tpu.memory_space<vmem>>
    %dma_start3A_307 = tpu.memref_squeeze %dma_start3A_306 : memref<1x64xi32, #tpu.memory_space<vmem>> -> memref<64xi32, #tpu.memory_space<vmem>>
    %dma_start3A_308 = arith.constant 0 : i32
    %dma_start3A_309 = arith.constant 0 : i32
    %dma_start3A_310 = tpu.memref_slice %arg4[%dma_start3A_308, %dma_start3A_309] : memref<65536x256xf32, #tpu.memory_space<hbm>> -> memref<65536x256xf32, #tpu.memory_space<hbm>>
    tpu.enqueue_indirect_dma source(%dma_start3A_310 : memref<65536x256xf32, #tpu.memory_space<hbm>>) target(%dma_start3A_304 : memref<64x256xf32, #tpu.memory_space<vmem>>) offsets(%dma_start3A_307 : memref<64xi32, #tpu.memory_space<vmem>>) semaphore(%arg15 : memref<!tpu.dma_semaphore, #tpu.memory_space<semaphore_mem>>)
    %get3A_311 = arith.constant 256 : index
    %get3A_312 = tpu.vector_load %arg6[%get3A_311] {strides = array<i32>} : memref<512xi32, #tpu.memory_space<vmem>>, vector<16xi32>,
    %get3A_313 = vector.shape_cast %get3A_312 : vector<16xi32> to vector<16xi32>
    %get3A_314 = arith.constant 256 : index
    %get3A_315 = tpu.vector_load %arg7[%get3A_314] {strides = array<i32>} : memref<512xi32, #tpu.memory_space<vmem>>, vector<16xi32>,
    %get3A_316 = vector.shape_cast %get3A_315 : vector<16xi32> to vector<16xi32>
    %mul3A_317 = arith.constant 256 : i32
    %mul3A_318 = vector.broadcast %mul3A_317 : i32 to vector<16xi32>
    %mul3A_319 = arith.muli %get3A_313, %mul3A_318 : vector<16xi32>
    %add3A_320 = arith.addi %mul3A_319, %get3A_316 : vector<16xi32>
    %swap3A_321 = arith.constant 4 : i32
    %swap3A_322 = arith.index_cast %swap3A_321 : i32 to index
    %swap3A_323 = arith.constant 0 : index
    %swap3A_324 = tpu.vector_load %arg8[%swap3A_322, %swap3A_323] {strides = array<i32>} : memref<8x64xi32, #tpu.memory_space<vmem>>, vector<1x16xi32>,
    %swap3A_325 = vector.shape_cast %swap3A_324 : vector<1x16xi32> to vector<16xi32>
    %swap3A_326 = vector.shape_cast %add3A_320 : vector<16xi32> to vector<1x16xi32>
    tpu.vector_store %arg8[%swap3A_322, %swap3A_323], %swap3A_326 {strides = array<i32>} : memref<8x64xi32, #tpu.memory_space<vmem>>, vector<1x16xi32>,
    %get3A_327 = arith.constant 272 : index
    %get3A_328 = tpu.vector_load %arg6[%get3A_327] {strides = array<i32>} : memref<512xi32, #tpu.memory_space<vmem>>, vector<16xi32>,
    %get3A_329 = vector.shape_cast %get3A_328 : vector<16xi32> to vector<16xi32>
    %get3A_330 = arith.constant 272 : index
    %get3A_331 = tpu.vector_load %arg7[%get3A_330] {strides = array<i32>} : memref<512xi32, #tpu.memory_space<vmem>>, vector<16xi32>,
    %get3A_332 = vector.shape_cast %get3A_331 : vector<16xi32> to vector<16xi32>
    %mul3A_333 = arith.constant 256 : i32
    %mul3A_334 = vector.broadcast %mul3A_333 : i32 to vector<16xi32>
    %mul3A_335 = arith.muli %get3A_329, %mul3A_334 : vector<16xi32>
    %add3A_336 = arith.addi %mul3A_335, %get3A_332 : vector<16xi32>
    %swap3A_337 = arith.constant 4 : i32
    %swap3A_338 = arith.index_cast %swap3A_337 : i32 to index
    %swap3A_339 = arith.constant 16 : index
    %swap3A_340 = tpu.vector_load %arg8[%swap3A_338, %swap3A_339] {strides = array<i32>} : memref<8x64xi32, #tpu.memory_space<vmem>>, vector<1x16xi32>,
    %swap3A_341 = vector.shape_cast %swap3A_340 : vector<1x16xi32> to vector<16xi32>
    %swap3A_342 = vector.shape_cast %add3A_336 : vector<16xi32> to vector<1x16xi32>
    tpu.vector_store %arg8[%swap3A_338, %swap3A_339], %swap3A_342 {strides = array<i32>} : memref<8x64xi32, #tpu.memory_space<vmem>>, vector<1x16xi32>,
    %get3A_343 = arith.constant 288 : index
    %get3A_344 = tpu.vector_load %arg6[%get3A_343] {strides = array<i32>} : memref<512xi32, #tpu.memory_space<vmem>>, vector<16xi32>,
    %get3A_345 = vector.shape_cast %get3A_344 : vector<16xi32> to vector<16xi32>
    %get3A_346 = arith.constant 288 : index
    %get3A_347 = tpu.vector_load %arg7[%get3A_346] {strides = array<i32>} : memref<512xi32, #tpu.memory_space<vmem>>, vector<16xi32>,
    %get3A_348 = vector.shape_cast %get3A_347 : vector<16xi32> to vector<16xi32>
    %mul3A_349 = arith.constant 256 : i32
    %mul3A_350 = vector.broadcast %mul3A_349 : i32 to vector<16xi32>
    %mul3A_351 = arith.muli %get3A_345, %mul3A_350 : vector<16xi32>
    %add3A_352 = arith.addi %mul3A_351, %get3A_348 : vector<16xi32>
    %swap3A_353 = arith.constant 4 : i32
    %swap3A_354 = arith.index_cast %swap3A_353 : i32 to index
    %swap3A_355 = arith.constant 32 : index
    %swap3A_356 = tpu.vector_load %arg8[%swap3A_354, %swap3A_355] {strides = array<i32>} : memref<8x64xi32, #tpu.memory_space<vmem>>, vector<1x16xi32>,
    %swap3A_357 = vector.shape_cast %swap3A_356 : vector<1x16xi32> to vector<16xi32>
    %swap3A_358 = vector.shape_cast %add3A_352 : vector<16xi32> to vector<1x16xi32>
    tpu.vector_store %arg8[%swap3A_354, %swap3A_355], %swap3A_358 {strides = array<i32>} : memref<8x64xi32, #tpu.memory_space<vmem>>, vector<1x16xi32>,
    %get3A_359 = arith.constant 304 : index
    %get3A_360 = tpu.vector_load %arg6[%get3A_359] {strides = array<i32>} : memref<512xi32, #tpu.memory_space<vmem>>, vector<16xi32>,
    %get3A_361 = vector.shape_cast %get3A_360 : vector<16xi32> to vector<16xi32>
    %get3A_362 = arith.constant 304 : index
    %get3A_363 = tpu.vector_load %arg7[%get3A_362] {strides = array<i32>} : memref<512xi32, #tpu.memory_space<vmem>>, vector<16xi32>,
    %get3A_364 = vector.shape_cast %get3A_363 : vector<16xi32> to vector<16xi32>
    %mul3A_365 = arith.constant 256 : i32
    %mul3A_366 = vector.broadcast %mul3A_365 : i32 to vector<16xi32>
    %mul3A_367 = arith.muli %get3A_361, %mul3A_366 : vector<16xi32>
    %add3A_368 = arith.addi %mul3A_367, %get3A_364 : vector<16xi32>
    %swap3A_369 = arith.constant 4 : i32
    %swap3A_370 = arith.index_cast %swap3A_369 : i32 to index
    %swap3A_371 = arith.constant 48 : index
    %swap3A_372 = tpu.vector_load %arg8[%swap3A_370, %swap3A_371] {strides = array<i32>} : memref<8x64xi32, #tpu.memory_space<vmem>>, vector<1x16xi32>,
    %swap3A_373 = vector.shape_cast %swap3A_372 : vector<1x16xi32> to vector<16xi32>
    %swap3A_374 = vector.shape_cast %add3A_368 : vector<16xi32> to vector<1x16xi32>
    tpu.vector_store %arg8[%swap3A_370, %swap3A_371], %swap3A_374 {strides = array<i32>} : memref<8x64xi32, #tpu.memory_space<vmem>>, vector<1x16xi32>,
    %dma_start3A_375 = arith.constant 4 : i32
    %dma_start3A_376 = arith.constant 4 : i32
    %dma_start3A_377 = arith.constant 0 : i32
    %dma_start3A_378 = arith.constant 0 : i32
    %dma_start3A_379 = tpu.memref_slice %arg9[%dma_start3A_376, %dma_start3A_377, %dma_start3A_378] : memref<7x64x256xf32, #tpu.memory_space<vmem>> -> memref<1x64x256xf32, #tpu.memory_space<vmem>>
    %dma_start3A_380 = tpu.memref_squeeze %dma_start3A_379 : memref<1x64x256xf32, #tpu.memory_space<vmem>> -> memref<64x256xf32, #tpu.memory_space<vmem>>
    %dma_start3A_381 = arith.constant 0 : i32
    %dma_start3A_382 = tpu.memref_slice %arg8[%dma_start3A_375, %dma_start3A_381] : memref<8x64xi32, #tpu.memory_space<vmem>> -> memref<1x64xi32, #tpu.memory_space<vmem>>
    %dma_start3A_383 = tpu.memref_squeeze %dma_start3A_382 : memref<1x64xi32, #tpu.memory_space<vmem>> -> memref<64xi32, #tpu.memory_space<vmem>>
    %dma_start3A_384 = arith.constant 0 : i32
    %dma_start3A_385 = arith.constant 0 : i32
    %dma_start3A_386 = tpu.memref_slice %arg4[%dma_start3A_384, %dma_start3A_385] : memref<65536x256xf32, #tpu.memory_space<hbm>> -> memref<65536x256xf32, #tpu.memory_space<hbm>>
    tpu.enqueue_indirect_dma source(%dma_start3A_386 : memref<65536x256xf32, #tpu.memory_space<hbm>>) target(%dma_start3A_380 : memref<64x256xf32, #tpu.memory_space<vmem>>) offsets(%dma_start3A_383 : memref<64xi32, #tpu.memory_space<vmem>>) semaphore(%arg16 : memref<!tpu.dma_semaphore, #tpu.memory_space<semaphore_mem>>)
    %get3A_387 = arith.constant 320 : index
    %get3A_388 = tpu.vector_load %arg6[%get3A_387] {strides = array<i32>} : memref<512xi32, #tpu.memory_space<vmem>>, vector<16xi32>,
    %get3A_389 = vector.shape_cast %get3A_388 : vector<16xi32> to vector<16xi32>
    %get3A_390 = arith.constant 320 : index
    %get3A_391 = tpu.vector_load %arg7[%get3A_390] {strides = array<i32>} : memref<512xi32, #tpu.memory_space<vmem>>, vector<16xi32>,
    %get3A_392 = vector.shape_cast %get3A_391 : vector<16xi32> to vector<16xi32>
    %mul3A_393 = arith.constant 256 : i32
    %mul3A_394 = vector.broadcast %mul3A_393 : i32 to vector<16xi32>
    %mul3A_395 = arith.muli %get3A_389, %mul3A_394 : vector<16xi32>
    %add3A_396 = arith.addi %mul3A_395, %get3A_392 : vector<16xi32>
    %swap3A_397 = arith.constant 5 : i32
    %swap3A_398 = arith.index_cast %swap3A_397 : i32 to index
    %swap3A_399 = arith.constant 0 : index
    %swap3A_400 = tpu.vector_load %arg8[%swap3A_398, %swap3A_399] {strides = array<i32>} : memref<8x64xi32, #tpu.memory_space<vmem>>, vector<1x16xi32>,
    %swap3A_401 = vector.shape_cast %swap3A_400 : vector<1x16xi32> to vector<16xi32>
    %swap3A_402 = vector.shape_cast %add3A_396 : vector<16xi32> to vector<1x16xi32>
    tpu.vector_store %arg8[%swap3A_398, %swap3A_399], %swap3A_402 {strides = array<i32>} : memref<8x64xi32, #tpu.memory_space<vmem>>, vector<1x16xi32>,
    %get3A_403 = arith.constant 336 : index
    %get3A_404 = tpu.vector_load %arg6[%get3A_403] {strides = array<i32>} : memref<512xi32, #tpu.memory_space<vmem>>, vector<16xi32>,
    %get3A_405 = vector.shape_cast %get3A_404 : vector<16xi32> to vector<16xi32>
    %get3A_406 = arith.constant 336 : index
    %get3A_407 = tpu.vector_load %arg7[%get3A_406] {strides = array<i32>} : memref<512xi32, #tpu.memory_space<vmem>>, vector<16xi32>,
    %get3A_408 = vector.shape_cast %get3A_407 : vector<16xi32> to vector<16xi32>
    %mul3A_409 = arith.constant 256 : i32
    %mul3A_410 = vector.broadcast %mul3A_409 : i32 to vector<16xi32>
    %mul3A_411 = arith.muli %get3A_405, %mul3A_410 : vector<16xi32>
    %add3A_412 = arith.addi %mul3A_411, %get3A_408 : vector<16xi32>
    %swap3A_413 = arith.constant 5 : i32
    %swap3A_414 = arith.index_cast %swap3A_413 : i32 to index
    %swap3A_415 = arith.constant 16 : index
    %swap3A_416 = tpu.vector_load %arg8[%swap3A_414, %swap3A_415] {strides = array<i32>} : memref<8x64xi32, #tpu.memory_space<vmem>>, vector<1x16xi32>,
    %swap3A_417 = vector.shape_cast %swap3A_416 : vector<1x16xi32> to vector<16xi32>
    %swap3A_418 = vector.shape_cast %add3A_412 : vector<16xi32> to vector<1x16xi32>
    tpu.vector_store %arg8[%swap3A_414, %swap3A_415], %swap3A_418 {strides = array<i32>} : memref<8x64xi32, #tpu.memory_space<vmem>>, vector<1x16xi32>,
    %get3A_419 = arith.constant 352 : index
    %get3A_420 = tpu.vector_load %arg6[%get3A_419] {strides = array<i32>} : memref<512xi32, #tpu.memory_space<vmem>>, vector<16xi32>,
    %get3A_421 = vector.shape_cast %get3A_420 : vector<16xi32> to vector<16xi32>
    %get3A_422 = arith.constant 352 : index
    %get3A_423 = tpu.vector_load %arg7[%get3A_422] {strides = array<i32>} : memref<512xi32, #tpu.memory_space<vmem>>, vector<16xi32>,
    %get3A_424 = vector.shape_cast %get3A_423 : vector<16xi32> to vector<16xi32>
    %mul3A_425 = arith.constant 256 : i32
    %mul3A_426 = vector.broadcast %mul3A_425 : i32 to vector<16xi32>
    %mul3A_427 = arith.muli %get3A_421, %mul3A_426 : vector<16xi32>
    %add3A_428 = arith.addi %mul3A_427, %get3A_424 : vector<16xi32>
    %swap3A_429 = arith.constant 5 : i32
    %swap3A_430 = arith.index_cast %swap3A_429 : i32 to index
    %swap3A_431 = arith.constant 32 : index
    %swap3A_432 = tpu.vector_load %arg8[%swap3A_430, %swap3A_431] {strides = array<i32>} : memref<8x64xi32, #tpu.memory_space<vmem>>, vector<1x16xi32>,
    %swap3A_433 = vector.shape_cast %swap3A_432 : vector<1x16xi32> to vector<16xi32>
    %swap3A_434 = vector.shape_cast %add3A_428 : vector<16xi32> to vector<1x16xi32>
    tpu.vector_store %arg8[%swap3A_430, %swap3A_431], %swap3A_434 {strides = array<i32>} : memref<8x64xi32, #tpu.memory_space<vmem>>, vector<1x16xi32>,
    %get3A_435 = arith.constant 368 : index
    %get3A_436 = tpu.vector_load %arg6[%get3A_435] {strides = array<i32>} : memref<512xi32, #tpu.memory_space<vmem>>, vector<16xi32>,
    %get3A_437 = vector.shape_cast %get3A_436 : vector<16xi32> to vector<16xi32>
    %get3A_438 = arith.constant 368 : index
    %get3A_439 = tpu.vector_load %arg7[%get3A_438] {strides = array<i32>} : memref<512xi32, #tpu.memory_space<vmem>>, vector<16xi32>,
    %get3A_440 = vector.shape_cast %get3A_439 : vector<16xi32> to vector<16xi32>
    %mul3A_441 = arith.constant 256 : i32
    %mul3A_442 = vector.broadcast %mul3A_441 : i32 to vector<16xi32>
    %mul3A_443 = arith.muli %get3A_437, %mul3A_442 : vector<16xi32>
    %add3A_444 = arith.addi %mul3A_443, %get3A_440 : vector<16xi32>
    %swap3A_445 = arith.constant 5 : i32
    %swap3A_446 = arith.index_cast %swap3A_445 : i32 to index
    %swap3A_447 = arith.constant 48 : index
    %swap3A_448 = tpu.vector_load %arg8[%swap3A_446, %swap3A_447] {strides = array<i32>} : memref<8x64xi32, #tpu.memory_space<vmem>>, vector<1x16xi32>,
    %swap3A_449 = vector.shape_cast %swap3A_448 : vector<1x16xi32> to vector<16xi32>
    %swap3A_450 = vector.shape_cast %add3A_444 : vector<16xi32> to vector<1x16xi32>
    tpu.vector_store %arg8[%swap3A_446, %swap3A_447], %swap3A_450 {strides = array<i32>} : memref<8x64xi32, #tpu.memory_space<vmem>>, vector<1x16xi32>,
    %dma_start3A_451 = arith.constant 5 : i32
    %dma_start3A_452 = arith.constant 5 : i32
    %dma_start3A_453 = arith.constant 0 : i32
    %dma_start3A_454 = arith.constant 0 : i32
    %dma_start3A_455 = tpu.memref_slice %arg9[%dma_start3A_452, %dma_start3A_453, %dma_start3A_454] : memref<7x64x256xf32, #tpu.memory_space<vmem>> -> memref<1x64x256xf32, #tpu.memory_space<vmem>>
    %dma_start3A_456 = tpu.memref_squeeze %dma_start3A_455 : memref<1x64x256xf32, #tpu.memory_space<vmem>> -> memref<64x256xf32, #tpu.memory_space<vmem>>
    %dma_start3A_457 = arith.constant 0 : i32
    %dma_start3A_458 = tpu.memref_slice %arg8[%dma_start3A_451, %dma_start3A_457] : memref<8x64xi32, #tpu.memory_space<vmem>> -> memref<1x64xi32, #tpu.memory_space<vmem>>
    %dma_start3A_459 = tpu.memref_squeeze %dma_start3A_458 : memref<1x64xi32, #tpu.memory_space<vmem>> -> memref<64xi32, #tpu.memory_space<vmem>>
    %dma_start3A_460 = arith.constant 0 : i32
    %dma_start3A_461 = arith.constant 0 : i32
    %dma_start3A_462 = tpu.memref_slice %arg4[%dma_start3A_460, %dma_start3A_461] : memref<65536x256xf32, #tpu.memory_space<hbm>> -> memref<65536x256xf32, #tpu.memory_space<hbm>>
    tpu.enqueue_indirect_dma source(%dma_start3A_462 : memref<65536x256xf32, #tpu.memory_space<hbm>>) target(%dma_start3A_456 : memref<64x256xf32, #tpu.memory_space<vmem>>) offsets(%dma_start3A_459 : memref<64xi32, #tpu.memory_space<vmem>>) semaphore(%arg17 : memref<!tpu.dma_semaphore, #tpu.memory_space<semaphore_mem>>)
    %get3A_463 = arith.constant 384 : index
    %get3A_464 = tpu.vector_load %arg6[%get3A_463] {strides = array<i32>} : memref<512xi32, #tpu.memory_space<vmem>>, vector<16xi32>,
    %get3A_465 = vector.shape_cast %get3A_464 : vector<16xi32> to vector<16xi32>
    %get3A_466 = arith.constant 384 : index
    %get3A_467 = tpu.vector_load %arg7[%get3A_466] {strides = array<i32>} : memref<512xi32, #tpu.memory_space<vmem>>, vector<16xi32>,
    %get3A_468 = vector.shape_cast %get3A_467 : vector<16xi32> to vector<16xi32>
    %mul3A_469 = arith.constant 256 : i32
    %mul3A_470 = vector.broadcast %mul3A_469 : i32 to vector<16xi32>
    %mul3A_471 = arith.muli %get3A_465, %mul3A_470 : vector<16xi32>
    %add3A_472 = arith.addi %mul3A_471, %get3A_468 : vector<16xi32>
    %swap3A_473 = arith.constant 6 : i32
    %swap3A_474 = arith.index_cast %swap3A_473 : i32 to index
    %swap3A_475 = arith.constant 0 : index
    %swap3A_476 = tpu.vector_load %arg8[%swap3A_474, %swap3A_475] {strides = array<i32>} : memref<8x64xi32, #tpu.memory_space<vmem>>, vector<1x16xi32>,
    %swap3A_477 = vector.shape_cast %swap3A_476 : vector<1x16xi32> to vector<16xi32>
    %swap3A_478 = vector.shape_cast %add3A_472 : vector<16xi32> to vector<1x16xi32>
    tpu.vector_store %arg8[%swap3A_474, %swap3A_475], %swap3A_478 {strides = array<i32>} : memref<8x64xi32, #tpu.memory_space<vmem>>, vector<1x16xi32>,
    %get3A_479 = arith.constant 400 : index
    %get3A_480 = tpu.vector_load %arg6[%get3A_479] {strides = array<i32>} : memref<512xi32, #tpu.memory_space<vmem>>, vector<16xi32>,
    %get3A_481 = vector.shape_cast %get3A_480 : vector<16xi32> to vector<16xi32>
    %get3A_482 = arith.constant 400 : index
    %get3A_483 = tpu.vector_load %arg7[%get3A_482] {strides = array<i32>} : memref<512xi32, #tpu.memory_space<vmem>>, vector<16xi32>,
    %get3A_484 = vector.shape_cast %get3A_483 : vector<16xi32> to vector<16xi32>
    %mul3A_485 = arith.constant 256 : i32
    %mul3A_486 = vector.broadcast %mul3A_485 : i32 to vector<16xi32>
    %mul3A_487 = arith.muli %get3A_481, %mul3A_486 : vector<16xi32>
    %add3A_488 = arith.addi %mul3A_487, %get3A_484 : vector<16xi32>
    %swap3A_489 = arith.constant 6 : i32
    %swap3A_490 = arith.index_cast %swap3A_489 : i32 to index
    %swap3A_491 = arith.constant 16 : index
    %swap3A_492 = tpu.vector_load %arg8[%swap3A_490, %swap3A_491] {strides = array<i32>} : memref<8x64xi32, #tpu.memory_space<vmem>>, vector<1x16xi32>,
    %swap3A_493 = vector.shape_cast %swap3A_492 : vector<1x16xi32> to vector<16xi32>
    %swap3A_494 = vector.shape_cast %add3A_488 : vector<16xi32> to vector<1x16xi32>
    tpu.vector_store %arg8[%swap3A_490, %swap3A_491], %swap3A_494 {strides = array<i32>} : memref<8x64xi32, #tpu.memory_space<vmem>>, vector<1x16xi32>,
    %get3A_495 = arith.constant 416 : index
    %get3A_496 = tpu.vector_load %arg6[%get3A_495] {strides = array<i32>} : memref<512xi32, #tpu.memory_space<vmem>>, vector<16xi32>,
    %get3A_497 = vector.shape_cast %get3A_496 : vector<16xi32> to vector<16xi32>
    %get3A_498 = arith.constant 416 : index
    %get3A_499 = tpu.vector_load %arg7[%get3A_498] {strides = array<i32>} : memref<512xi32, #tpu.memory_space<vmem>>, vector<16xi32>,
    %get3A_500 = vector.shape_cast %get3A_499 : vector<16xi32> to vector<16xi32>
    %mul3A_501 = arith.constant 256 : i32
    %mul3A_502 = vector.broadcast %mul3A_501 : i32 to vector<16xi32>
    %mul3A_503 = arith.muli %get3A_497, %mul3A_502 : vector<16xi32>
    %add3A_504 = arith.addi %mul3A_503, %get3A_500 : vector<16xi32>
    %swap3A_505 = arith.constant 6 : i32
    %swap3A_506 = arith.index_cast %swap3A_505 : i32 to index
    %swap3A_507 = arith.constant 32 : index
    %swap3A_508 = tpu.vector_load %arg8[%swap3A_506, %swap3A_507] {strides = array<i32>} : memref<8x64xi32, #tpu.memory_space<vmem>>, vector<1x16xi32>,
    %swap3A_509 = vector.shape_cast %swap3A_508 : vector<1x16xi32> to vector<16xi32>
    %swap3A_510 = vector.shape_cast %add3A_504 : vector<16xi32> to vector<1x16xi32>
    tpu.vector_store %arg8[%swap3A_506, %swap3A_507], %swap3A_510 {strides = array<i32>} : memref<8x64xi32, #tpu.memory_space<vmem>>, vector<1x16xi32>,
    %get3A_511 = arith.constant 432 : index
    %get3A_512 = tpu.vector_load %arg6[%get3A_511] {strides = array<i32>} : memref<512xi32, #tpu.memory_space<vmem>>, vector<16xi32>,
    %get3A_513 = vector.shape_cast %get3A_512 : vector<16xi32> to vector<16xi32>
    %get3A_514 = arith.constant 432 : index
    %get3A_515 = tpu.vector_load %arg7[%get3A_514] {strides = array<i32>} : memref<512xi32, #tpu.memory_space<vmem>>, vector<16xi32>,
    %get3A_516 = vector.shape_cast %get3A_515 : vector<16xi32> to vector<16xi32>
    %mul3A_517 = arith.constant 256 : i32
    %mul3A_518 = vector.broadcast %mul3A_517 : i32 to vector<16xi32>
    %mul3A_519 = arith.muli %get3A_513, %mul3A_518 : vector<16xi32>
    %add3A_520 = arith.addi %mul3A_519, %get3A_516 : vector<16xi32>
    %swap3A_521 = arith.constant 6 : i32
    %swap3A_522 = arith.index_cast %swap3A_521 : i32 to index
    %swap3A_523 = arith.constant 48 : index
    %swap3A_524 = tpu.vector_load %arg8[%swap3A_522, %swap3A_523] {strides = array<i32>} : memref<8x64xi32, #tpu.memory_space<vmem>>, vector<1x16xi32>,
    %swap3A_525 = vector.shape_cast %swap3A_524 : vector<1x16xi32> to vector<16xi32>
    %swap3A_526 = vector.shape_cast %add3A_520 : vector<16xi32> to vector<1x16xi32>
    tpu.vector_store %arg8[%swap3A_522, %swap3A_523], %swap3A_526 {strides = array<i32>} : memref<8x64xi32, #tpu.memory_space<vmem>>, vector<1x16xi32>,
    %get3A_527 = arith.constant 448 : index
    %get3A_528 = tpu.vector_load %arg6[%get3A_527] {strides = array<i32>} : memref<512xi32, #tpu.memory_space<vmem>>, vector<16xi32>,
    %get3A_529 = vector.shape_cast %get3A_528 : vector<16xi32> to vector<16xi32>
    %get3A_530 = arith.constant 448 : index
    %get3A_531 = tpu.vector_load %arg7[%get3A_530] {strides = array<i32>} : memref<512xi32, #tpu.memory_space<vmem>>, vector<16xi32>,
    %get3A_532 = vector.shape_cast %get3A_531 : vector<16xi32> to vector<16xi32>
    %mul3A_533 = arith.constant 256 : i32
    %mul3A_534 = vector.broadcast %mul3A_533 : i32 to vector<16xi32>
    %mul3A_535 = arith.muli %get3A_529, %mul3A_534 : vector<16xi32>
    %add3A_536 = arith.addi %mul3A_535, %get3A_532 : vector<16xi32>
    %swap3A_537 = arith.constant 7 : i32
    %swap3A_538 = arith.index_cast %swap3A_537 : i32 to index
    %swap3A_539 = arith.constant 0 : index
    %swap3A_540 = tpu.vector_load %arg8[%swap3A_538, %swap3A_539] {strides = array<i32>} : memref<8x64xi32, #tpu.memory_space<vmem>>, vector<1x16xi32>,
    %swap3A_541 = vector.shape_cast %swap3A_540 : vector<1x16xi32> to vector<16xi32>
    %swap3A_542 = vector.shape_cast %add3A_536 : vector<16xi32> to vector<1x16xi32>
    tpu.vector_store %arg8[%swap3A_538, %swap3A_539], %swap3A_542 {strides = array<i32>} : memref<8x64xi32, #tpu.memory_space<vmem>>, vector<1x16xi32>,
    %get3A_543 = arith.constant 464 : index
    %get3A_544 = tpu.vector_load %arg6[%get3A_543] {strides = array<i32>} : memref<512xi32, #tpu.memory_space<vmem>>, vector<16xi32>,
    %get3A_545 = vector.shape_cast %get3A_544 : vector<16xi32> to vector<16xi32>
    %get3A_546 = arith.constant 464 : index
    %get3A_547 = tpu.vector_load %arg7[%get3A_546] {strides = array<i32>} : memref<512xi32, #tpu.memory_space<vmem>>, vector<16xi32>,
    %get3A_548 = vector.shape_cast %get3A_547 : vector<16xi32> to vector<16xi32>
    %mul3A_549 = arith.constant 256 : i32
    %mul3A_550 = vector.broadcast %mul3A_549 : i32 to vector<16xi32>
    %mul3A_551 = arith.muli %get3A_545, %mul3A_550 : vector<16xi32>
    %add3A_552 = arith.addi %mul3A_551, %get3A_548 : vector<16xi32>
    %swap3A_553 = arith.constant 7 : i32
    %swap3A_554 = arith.index_cast %swap3A_553 : i32 to index
    %swap3A_555 = arith.constant 16 : index
    %swap3A_556 = tpu.vector_load %arg8[%swap3A_554, %swap3A_555] {strides = array<i32>} : memref<8x64xi32, #tpu.memory_space<vmem>>, vector<1x16xi32>,
    %swap3A_557 = vector.shape_cast %swap3A_556 : vector<1x16xi32> to vector<16xi32>
    %swap3A_558 = vector.shape_cast %add3A_552 : vector<16xi32> to vector<1x16xi32>
    tpu.vector_store %arg8[%swap3A_554, %swap3A_555], %swap3A_558 {strides = array<i32>} : memref<8x64xi32, #tpu.memory_space<vmem>>, vector<1x16xi32>,
    %get3A_559 = arith.constant 480 : index
    %get3A_560 = tpu.vector_load %arg6[%get3A_559] {strides = array<i32>} : memref<512xi32, #tpu.memory_space<vmem>>, vector<16xi32>,
    %get3A_561 = vector.shape_cast %get3A_560 : vector<16xi32> to vector<16xi32>
    %get3A_562 = arith.constant 480 : index
    %get3A_563 = tpu.vector_load %arg7[%get3A_562] {strides = array<i32>} : memref<512xi32, #tpu.memory_space<vmem>>, vector<16xi32>,
    %get3A_564 = vector.shape_cast %get3A_563 : vector<16xi32> to vector<16xi32>
    %mul3A_565 = arith.constant 256 : i32
    %mul3A_566 = vector.broadcast %mul3A_565 : i32 to vector<16xi32>
    %mul3A_567 = arith.muli %get3A_561, %mul3A_566 : vector<16xi32>
    %add3A_568 = arith.addi %mul3A_567, %get3A_564 : vector<16xi32>
    %swap3A_569 = arith.constant 7 : i32
    %swap3A_570 = arith.index_cast %swap3A_569 : i32 to index
    %swap3A_571 = arith.constant 32 : index
    %swap3A_572 = tpu.vector_load %arg8[%swap3A_570, %swap3A_571] {strides = array<i32>} : memref<8x64xi32, #tpu.memory_space<vmem>>, vector<1x16xi32>,
    %swap3A_573 = vector.shape_cast %swap3A_572 : vector<1x16xi32> to vector<16xi32>
    %swap3A_574 = vector.shape_cast %add3A_568 : vector<16xi32> to vector<1x16xi32>
    tpu.vector_store %arg8[%swap3A_570, %swap3A_571], %swap3A_574 {strides = array<i32>} : memref<8x64xi32, #tpu.memory_space<vmem>>, vector<1x16xi32>,
    %get3A_575 = arith.constant 496 : index
    %get3A_576 = tpu.vector_load %arg6[%get3A_575] {strides = array<i32>} : memref<512xi32, #tpu.memory_space<vmem>>, vector<16xi32>,
    %get3A_577 = vector.shape_cast %get3A_576 : vector<16xi32> to vector<16xi32>
    %get3A_578 = arith.constant 496 : index
    %get3A_579 = tpu.vector_load %arg7[%get3A_578] {strides = array<i32>} : memref<512xi32, #tpu.memory_space<vmem>>, vector<16xi32>,
    %get3A_580 = vector.shape_cast %get3A_579 : vector<16xi32> to vector<16xi32>
    %mul3A_581 = arith.constant 256 : i32
    %mul3A_582 = vector.broadcast %mul3A_581 : i32 to vector<16xi32>
    %mul3A_583 = arith.muli %get3A_577, %mul3A_582 : vector<16xi32>
    %add3A_584 = arith.addi %mul3A_583, %get3A_580 : vector<16xi32>
    %swap3A_585 = arith.constant 7 : i32
    %swap3A_586 = arith.index_cast %swap3A_585 : i32 to index
    %swap3A_587 = arith.constant 48 : index
    %swap3A_588 = tpu.vector_load %arg8[%swap3A_586, %swap3A_587] {strides = array<i32>} : memref<8x64xi32, #tpu.memory_space<vmem>>, vector<1x16xi32>,
    %swap3A_589 = vector.shape_cast %swap3A_588 : vector<1x16xi32> to vector<16xi32>
    %swap3A_590 = vector.shape_cast %add3A_584 : vector<16xi32> to vector<1x16xi32>
    tpu.vector_store %arg8[%swap3A_586, %swap3A_587], %swap3A_590 {strides = array<i32>} : memref<8x64xi32, #tpu.memory_space<vmem>>, vector<1x16xi32>,
    %dma_wait3A_591 = arith.constant 0 : i32
    %dma_wait3A_592 = arith.constant 0 : i32
    %dma_wait3A_593 = arith.constant 0 : i32
    %dma_wait3A_594 = arith.constant 0 : i32
    %dma_wait3A_595 = tpu.memref_slice %arg9[%dma_wait3A_592, %dma_wait3A_593, %dma_wait3A_594] : memref<7x64x256xf32, #tpu.memory_space<vmem>> -> memref<1x64x256xf32, #tpu.memory_space<vmem>>
    %dma_wait3A_596 = tpu.memref_squeeze %dma_wait3A_595 : memref<1x64x256xf32, #tpu.memory_space<vmem>> -> memref<64x256xf32, #tpu.memory_space<vmem>>
    %dma_wait3A_597 = arith.constant 0 : i32
    %dma_wait3A_598 = tpu.memref_slice %arg8[%dma_wait3A_591, %dma_wait3A_597] : memref<8x64xi32, #tpu.memory_space<vmem>> -> memref<1x64xi32, #tpu.memory_space<vmem>>
    %dma_wait3A_599 = tpu.memref_squeeze %dma_wait3A_598 : memref<1x64xi32, #tpu.memory_space<vmem>> -> memref<64xi32, #tpu.memory_space<vmem>>
    %dma_wait3A_600 = arith.constant 0 : i32
    %dma_wait3A_601 = arith.constant 0 : i32
    %dma_wait3A_602 = tpu.memref_slice %arg4[%dma_wait3A_600, %dma_wait3A_601] : memref<65536x256xf32, #tpu.memory_space<hbm>> -> memref<65536x256xf32, #tpu.memory_space<hbm>>
    tpu.wait_indirect_dma semaphore(%arg12 : memref<!tpu.dma_semaphore, #tpu.memory_space<semaphore_mem>>) src(%dma_wait3A_602 : memref<65536x256xf32, #tpu.memory_space<hbm>>) dst(%dma_wait3A_596 : memref<64x256xf32, #tpu.memory_space<vmem>>)
    %add3A_603 = arith.constant 0 : i32
    %add3A_604 = arith.addi %mul3A_2, %add3A_603 : i32
    %dma_start3A_605 = arith.constant 0 : i32
    %dma_start3A_606 = arith.constant 0 : i32
    %dma_start3A_607 = arith.constant 0 : i32
    %dma_start3A_608 = tpu.memref_slice %arg9[%dma_start3A_605, %dma_start3A_606, %dma_start3A_607] : memref<7x64x256xf32, #tpu.memory_space<vmem>> -> memref<1x64x256xf32, #tpu.memory_space<vmem>>
    %dma_start3A_609 = tpu.memref_squeeze %dma_start3A_608 : memref<1x64x256xf32, #tpu.memory_space<vmem>> -> memref<64x256xf32, #tpu.memory_space<vmem>>
    %dma_start3A_610 = arith.constant 0 : i32
    %dma_start3A_611 = tpu.memref_slice %arg5[%add3A_604, %dma_start3A_610] : memref<16384x256xf32, #tpu.memory_space<hbm>> -> memref<64x256xf32, #tpu.memory_space<hbm>>
    %dma_start3A_612 = arith.constant 0 : i32
    %dma_start3A_613 = tpu.memref_slice %arg5[%add3A_604, %dma_start3A_612] : memref<16384x256xf32, #tpu.memory_space<hbm>> -> memref<64x256xf32, #tpu.memory_space<hbm>>
    %dma_start3A_614 = arith.constant 0 : i32
    %dma_start3A_615 = arith.constant 0 : i32
    %dma_start3A_616 = tpu.memref_slice %arg9[%dma_start3A_605, %dma_start3A_614, %dma_start3A_615] : memref<7x64x256xf32, #tpu.memory_space<vmem>> -> memref<1x64x256xf32, #tpu.memory_space<vmem>>
    %dma_start3A_617 = tpu.memref_squeeze %dma_start3A_616 : memref<1x64x256xf32, #tpu.memory_space<vmem>> -> memref<64x256xf32, #tpu.memory_space<vmem>>
    tpu.enqueue_dma source(%dma_start3A_617 : memref<64x256xf32, #tpu.memory_space<vmem>>) target(%dma_start3A_613 : memref<64x256xf32, #tpu.memory_space<hbm>>) target_semaphore(%arg19 : memref<!tpu.dma_semaphore, #tpu.memory_space<semaphore_mem>>)
    %dma_start3A_618 = arith.constant 6 : i32
    %dma_start3A_619 = arith.constant 6 : i32
    %dma_start3A_620 = arith.constant 0 : i32
    %dma_start3A_621 = arith.constant 0 : i32
    %dma_start3A_622 = tpu.memref_slice %arg9[%dma_start3A_619, %dma_start3A_620, %dma_start3A_621] : memref<7x64x256xf32, #tpu.memory_space<vmem>> -> memref<1x64x256xf32, #tpu.memory_space<vmem>>
    %dma_start3A_623 = tpu.memref_squeeze %dma_start3A_622 : memref<1x64x256xf32, #tpu.memory_space<vmem>> -> memref<64x256xf32, #tpu.memory_space<vmem>>
    %dma_start3A_624 = arith.constant 0 : i32
    %dma_start3A_625 = tpu.memref_slice %arg8[%dma_start3A_618, %dma_start3A_624] : memref<8x64xi32, #tpu.memory_space<vmem>> -> memref<1x64xi32, #tpu.memory_space<vmem>>
    %dma_start3A_626 = tpu.memref_squeeze %dma_start3A_625 : memref<1x64xi32, #tpu.memory_space<vmem>> -> memref<64xi32, #tpu.memory_space<vmem>>
    %dma_start3A_627 = arith.constant 0 : i32
    %dma_start3A_628 = arith.constant 0 : i32
    %dma_start3A_629 = tpu.memref_slice %arg4[%dma_start3A_627, %dma_start3A_628] : memref<65536x256xf32, #tpu.memory_space<hbm>> -> memref<65536x256xf32, #tpu.memory_space<hbm>>
    tpu.enqueue_indirect_dma source(%dma_start3A_629 : memref<65536x256xf32, #tpu.memory_space<hbm>>) target(%dma_start3A_623 : memref<64x256xf32, #tpu.memory_space<vmem>>) offsets(%dma_start3A_626 : memref<64xi32, #tpu.memory_space<vmem>>) semaphore(%arg18 : memref<!tpu.dma_semaphore, #tpu.memory_space<semaphore_mem>>)
    %dma_wait3A_630 = arith.constant 1 : i32
    %dma_wait3A_631 = arith.constant 1 : i32
    %dma_wait3A_632 = arith.constant 0 : i32
    %dma_wait3A_633 = arith.constant 0 : i32
    %dma_wait3A_634 = tpu.memref_slice %arg9[%dma_wait3A_631, %dma_wait3A_632, %dma_wait3A_633] : memref<7x64x256xf32, #tpu.memory_space<vmem>> -> memref<1x64x256xf32, #tpu.memory_space<vmem>>
    %dma_wait3A_635 = tpu.memref_squeeze %dma_wait3A_634 : memref<1x64x256xf32, #tpu.memory_space<vmem>> -> memref<64x256xf32, #tpu.memory_space<vmem>>
    %dma_wait3A_636 = arith.constant 0 : i32
    %dma_wait3A_637 = tpu.memref_slice %arg8[%dma_wait3A_630, %dma_wait3A_636] : memref<8x64xi32, #tpu.memory_space<vmem>> -> memref<1x64xi32, #tpu.memory_space<vmem>>
    %dma_wait3A_638 = tpu.memref_squeeze %dma_wait3A_637 : memref<1x64xi32, #tpu.memory_space<vmem>> -> memref<64xi32, #tpu.memory_space<vmem>>
    %dma_wait3A_639 = arith.constant 0 : i32
    %dma_wait3A_640 = arith.constant 0 : i32
    %dma_wait3A_641 = tpu.memref_slice %arg4[%dma_wait3A_639, %dma_wait3A_640] : memref<65536x256xf32, #tpu.memory_space<hbm>> -> memref<65536x256xf32, #tpu.memory_space<hbm>>
    tpu.wait_indirect_dma semaphore(%arg13 : memref<!tpu.dma_semaphore, #tpu.memory_space<semaphore_mem>>) src(%dma_wait3A_641 : memref<65536x256xf32, #tpu.memory_space<hbm>>) dst(%dma_wait3A_635 : memref<64x256xf32, #tpu.memory_space<vmem>>)
    %add3A_642 = arith.constant 64 : i32
    %add3A_643 = arith.addi %mul3A_2, %add3A_642 : i32
    %dma_start3A_644 = arith.constant 1 : i32
    %dma_start3A_645 = arith.constant 0 : i32
    %dma_start3A_646 = arith.constant 0 : i32
    %dma_start3A_647 = tpu.memref_slice %arg9[%dma_start3A_644, %dma_start3A_645, %dma_start3A_646] : memref<7x64x256xf32, #tpu.memory_space<vmem>> -> memref<1x64x256xf32, #tpu.memory_space<vmem>>
    %dma_start3A_648 = tpu.memref_squeeze %dma_start3A_647 : memref<1x64x256xf32, #tpu.memory_space<vmem>> -> memref<64x256xf32, #tpu.memory_space<vmem>>
    %dma_start3A_649 = arith.constant 0 : i32
    %dma_start3A_650 = tpu.memref_slice %arg5[%add3A_643, %dma_start3A_649] : memref<16384x256xf32, #tpu.memory_space<hbm>> -> memref<64x256xf32, #tpu.memory_space<hbm>>
    %dma_start3A_651 = arith.constant 0 : i32
    %dma_start3A_652 = tpu.memref_slice %arg5[%add3A_643, %dma_start3A_651] : memref<16384x256xf32, #tpu.memory_space<hbm>> -> memref<64x256xf32, #tpu.memory_space<hbm>>
    %dma_start3A_653 = arith.constant 0 : i32
    %dma_start3A_654 = arith.constant 0 : i32
    %dma_start3A_655 = tpu.memref_slice %arg9[%dma_start3A_644, %dma_start3A_653, %dma_start3A_654] : memref<7x64x256xf32, #tpu.memory_space<vmem>> -> memref<1x64x256xf32, #tpu.memory_space<vmem>>
    %dma_start3A_656 = tpu.memref_squeeze %dma_start3A_655 : memref<1x64x256xf32, #tpu.memory_space<vmem>> -> memref<64x256xf32, #tpu.memory_space<vmem>>
    tpu.enqueue_dma source(%dma_start3A_656 : memref<64x256xf32, #tpu.memory_space<vmem>>) target(%dma_start3A_652 : memref<64x256xf32, #tpu.memory_space<hbm>>) target_semaphore(%arg20 : memref<!tpu.dma_semaphore, #tpu.memory_space<semaphore_mem>>)
    %dma_wait3A_657 = arith.constant 0 : i32
    %dma_wait3A_658 = arith.constant 0 : i32
    %dma_wait3A_659 = arith.constant 0 : i32
    %dma_wait3A_660 = tpu.memref_slice %arg9[%dma_wait3A_657, %dma_wait3A_658, %dma_wait3A_659] : memref<7x64x256xf32, #tpu.memory_space<vmem>> -> memref<1x64x256xf32, #tpu.memory_space<vmem>>
    %dma_wait3A_661 = tpu.memref_squeeze %dma_wait3A_660 : memref<1x64x256xf32, #tpu.memory_space<vmem>> -> memref<64x256xf32, #tpu.memory_space<vmem>>
    %dma_wait3A_662 = arith.constant 0 : i32
    %dma_wait3A_663 = tpu.memref_slice %arg5[%add3A_604, %dma_wait3A_662] : memref<16384x256xf32, #tpu.memory_space<hbm>> -> memref<64x256xf32, #tpu.memory_space<hbm>>
    %dma_wait3A_664 = arith.constant 0 : i32
    %dma_wait3A_665 = tpu.memref_slice %arg5[%add3A_604, %dma_wait3A_664] : memref<16384x256xf32, #tpu.memory_space<hbm>> -> memref<64x256xf32, #tpu.memory_space<hbm>>
    %dma_wait3A_666 = arith.constant 0 : i32
    %dma_wait3A_667 = arith.constant 0 : i32
    %dma_wait3A_668 = tpu.memref_slice %arg9[%dma_wait3A_657, %dma_wait3A_666, %dma_wait3A_667] : memref<7x64x256xf32, #tpu.memory_space<vmem>> -> memref<1x64x256xf32, #tpu.memory_space<vmem>>
    %dma_wait3A_669 = tpu.memref_squeeze %dma_wait3A_668 : memref<1x64x256xf32, #tpu.memory_space<vmem>> -> memref<64x256xf32, #tpu.memory_space<vmem>>
    tpu.wait_dma2 semaphore(%arg19 : memref<!tpu.dma_semaphore, #tpu.memory_space<semaphore_mem>>) src(%dma_wait3A_669 : memref<64x256xf32, #tpu.memory_space<vmem>>) dst(%dma_wait3A_665 : memref<64x256xf32, #tpu.memory_space<hbm>>)
    %dma_start3A_670 = arith.constant 7 : i32
    %dma_start3A_671 = arith.constant 0 : i32
    %dma_start3A_672 = arith.constant 0 : i32
    %dma_start3A_673 = arith.constant 0 : i32
    %dma_start3A_674 = tpu.memref_slice %arg9[%dma_start3A_671, %dma_start3A_672, %dma_start3A_673] : memref<7x64x256xf32, #tpu.memory_space<vmem>> -> memref<1x64x256xf32, #tpu.memory_space<vmem>>
    %dma_start3A_675 = tpu.memref_squeeze %dma_start3A_674 : memref<1x64x256xf32, #tpu.memory_space<vmem>> -> memref<64x256xf32, #tpu.memory_space<vmem>>
    %dma_start3A_676 = arith.constant 0 : i32
    %dma_start3A_677 = tpu.memref_slice %arg8[%dma_start3A_670, %dma_start3A_676] : memref<8x64xi32, #tpu.memory_space<vmem>> -> memref<1x64xi32, #tpu.memory_space<vmem>>
    %dma_start3A_678 = tpu.memref_squeeze %dma_start3A_677 : memref<1x64xi32, #tpu.memory_space<vmem>> -> memref<64xi32, #tpu.memory_space<vmem>>
    %dma_start3A_679 = arith.constant 0 : i32
    %dma_start3A_680 = arith.constant 0 : i32
    %dma_start3A_681 = tpu.memref_slice %arg4[%dma_start3A_679, %dma_start3A_680] : memref<65536x256xf32, #tpu.memory_space<hbm>> -> memref<65536x256xf32, #tpu.memory_space<hbm>>
    tpu.enqueue_indirect_dma source(%dma_start3A_681 : memref<65536x256xf32, #tpu.memory_space<hbm>>) target(%dma_start3A_675 : memref<64x256xf32, #tpu.memory_space<vmem>>) offsets(%dma_start3A_678 : memref<64xi32, #tpu.memory_space<vmem>>) semaphore(%arg12 : memref<!tpu.dma_semaphore, #tpu.memory_space<semaphore_mem>>)
    %dma_wait3A_682 = arith.constant 2 : i32
    %dma_wait3A_683 = arith.constant 2 : i32
    %dma_wait3A_684 = arith.constant 0 : i32
    %dma_wait3A_685 = arith.constant 0 : i32
    %dma_wait3A_686 = tpu.memref_slice %arg9[%dma_wait3A_683, %dma_wait3A_684, %dma_wait3A_685] : memref<7x64x256xf32, #tpu.memory_space<vmem>> -> memref<1x64x256xf32, #tpu.memory_space<vmem>>
    %dma_wait3A_687 = tpu.memref_squeeze %dma_wait3A_686 : memref<1x64x256xf32, #tpu.memory_space<vmem>> -> memref<64x256xf32, #tpu.memory_space<vmem>>
    %dma_wait3A_688 = arith.constant 0 : i32
    %dma_wait3A_689 = tpu.memref_slice %arg8[%dma_wait3A_682, %dma_wait3A_688] : memref<8x64xi32, #tpu.memory_space<vmem>> -> memref<1x64xi32, #tpu.memory_space<vmem>>
    %dma_wait3A_690 = tpu.memref_squeeze %dma_wait3A_689 : memref<1x64xi32, #tpu.memory_space<vmem>> -> memref<64xi32, #tpu.memory_space<vmem>>
    %dma_wait3A_691 = arith.constant 0 : i32
    %dma_wait3A_692 = arith.constant 0 : i32
    %dma_wait3A_693 = tpu.memref_slice %arg4[%dma_wait3A_691, %dma_wait3A_692] : memref<65536x256xf32, #tpu.memory_space<hbm>> -> memref<65536x256xf32, #tpu.memory_space<hbm>>
    tpu.wait_indirect_dma semaphore(%arg14 : memref<!tpu.dma_semaphore, #tpu.memory_space<semaphore_mem>>) src(%dma_wait3A_693 : memref<65536x256xf32, #tpu.memory_space<hbm>>) dst(%dma_wait3A_687 : memref<64x256xf32, #tpu.memory_space<vmem>>)
    %add3A_694 = arith.constant 128 : i32
    %add3A_695 = arith.addi %mul3A_2, %add3A_694 : i32
    %dma_start3A_696 = arith.constant 2 : i32
    %dma_start3A_697 = arith.constant 0 : i32
    %dma_start3A_698 = arith.constant 0 : i32
    %dma_start3A_699 = tpu.memref_slice %arg9[%dma_start3A_696, %dma_start3A_697, %dma_start3A_698] : memref<7x64x256xf32, #tpu.memory_space<vmem>> -> memref<1x64x256xf32, #tpu.memory_space<vmem>>
    %dma_start3A_700 = tpu.memref_squeeze %dma_start3A_699 : memref<1x64x256xf32, #tpu.memory_space<vmem>> -> memref<64x256xf32, #tpu.memory_space<vmem>>
    %dma_start3A_701 = arith.constant 0 : i32
    %dma_start3A_702 = tpu.memref_slice %arg5[%add3A_695, %dma_start3A_701] : memref<16384x256xf32, #tpu.memory_space<hbm>> -> memref<64x256xf32, #tpu.memory_space<hbm>>
    %dma_start3A_703 = arith.constant 0 : i32
    %dma_start3A_704 = tpu.memref_slice %arg5[%add3A_695, %dma_start3A_703] : memref<16384x256xf32, #tpu.memory_space<hbm>> -> memref<64x256xf32, #tpu.memory_space<hbm>>
    %dma_start3A_705 = arith.constant 0 : i32
    %dma_start3A_706 = arith.constant 0 : i32
    %dma_start3A_707 = tpu.memref_slice %arg9[%dma_start3A_696, %dma_start3A_705, %dma_start3A_706] : memref<7x64x256xf32, #tpu.memory_space<vmem>> -> memref<1x64x256xf32, #tpu.memory_space<vmem>>
    %dma_start3A_708 = tpu.memref_squeeze %dma_start3A_707 : memref<1x64x256xf32, #tpu.memory_space<vmem>> -> memref<64x256xf32, #tpu.memory_space<vmem>>
    tpu.enqueue_dma source(%dma_start3A_708 : memref<64x256xf32, #tpu.memory_space<vmem>>) target(%dma_start3A_704 : memref<64x256xf32, #tpu.memory_space<hbm>>) target_semaphore(%arg21 : memref<!tpu.dma_semaphore, #tpu.memory_space<semaphore_mem>>)
    %dma_wait3A_709 = arith.constant 3 : i32
    %dma_wait3A_710 = arith.constant 3 : i32
    %dma_wait3A_711 = arith.constant 0 : i32
    %dma_wait3A_712 = arith.constant 0 : i32
    %dma_wait3A_713 = tpu.memref_slice %arg9[%dma_wait3A_710, %dma_wait3A_711, %dma_wait3A_712] : memref<7x64x256xf32, #tpu.memory_space<vmem>> -> memref<1x64x256xf32, #tpu.memory_space<vmem>>
    %dma_wait3A_714 = tpu.memref_squeeze %dma_wait3A_713 : memref<1x64x256xf32, #tpu.memory_space<vmem>> -> memref<64x256xf32, #tpu.memory_space<vmem>>
    %dma_wait3A_715 = arith.constant 0 : i32
    %dma_wait3A_716 = tpu.memref_slice %arg8[%dma_wait3A_709, %dma_wait3A_715] : memref<8x64xi32, #tpu.memory_space<vmem>> -> memref<1x64xi32, #tpu.memory_space<vmem>>
    %dma_wait3A_717 = tpu.memref_squeeze %dma_wait3A_716 : memref<1x64xi32, #tpu.memory_space<vmem>> -> memref<64xi32, #tpu.memory_space<vmem>>
    %dma_wait3A_718 = arith.constant 0 : i32
    %dma_wait3A_719 = arith.constant 0 : i32
    %dma_wait3A_720 = tpu.memref_slice %arg4[%dma_wait3A_718, %dma_wait3A_719] : memref<65536x256xf32, #tpu.memory_space<hbm>> -> memref<65536x256xf32, #tpu.memory_space<hbm>>
    tpu.wait_indirect_dma semaphore(%arg15 : memref<!tpu.dma_semaphore, #tpu.memory_space<semaphore_mem>>) src(%dma_wait3A_720 : memref<65536x256xf32, #tpu.memory_space<hbm>>) dst(%dma_wait3A_714 : memref<64x256xf32, #tpu.memory_space<vmem>>)
    %add3A_721 = arith.constant 192 : i32
    %add3A_722 = arith.addi %mul3A_2, %add3A_721 : i32
    %dma_start3A_723 = arith.constant 3 : i32
    %dma_start3A_724 = arith.constant 0 : i32
    %dma_start3A_725 = arith.constant 0 : i32
    %dma_start3A_726 = tpu.memref_slice %arg9[%dma_start3A_723, %dma_start3A_724, %dma_start3A_725] : memref<7x64x256xf32, #tpu.memory_space<vmem>> -> memref<1x64x256xf32, #tpu.memory_space<vmem>>
    %dma_start3A_727 = tpu.memref_squeeze %dma_start3A_726 : memref<1x64x256xf32, #tpu.memory_space<vmem>> -> memref<64x256xf32, #tpu.memory_space<vmem>>
    %dma_start3A_728 = arith.constant 0 : i32
    %dma_start3A_729 = tpu.memref_slice %arg5[%add3A_722, %dma_start3A_728] : memref<16384x256xf32, #tpu.memory_space<hbm>> -> memref<64x256xf32, #tpu.memory_space<hbm>>
    %dma_start3A_730 = arith.constant 0 : i32
    %dma_start3A_731 = tpu.memref_slice %arg5[%add3A_722, %dma_start3A_730] : memref<16384x256xf32, #tpu.memory_space<hbm>> -> memref<64x256xf32, #tpu.memory_space<hbm>>
    %dma_start3A_732 = arith.constant 0 : i32
    %dma_start3A_733 = arith.constant 0 : i32
    %dma_start3A_734 = tpu.memref_slice %arg9[%dma_start3A_723, %dma_start3A_732, %dma_start3A_733] : memref<7x64x256xf32, #tpu.memory_space<vmem>> -> memref<1x64x256xf32, #tpu.memory_space<vmem>>
    %dma_start3A_735 = tpu.memref_squeeze %dma_start3A_734 : memref<1x64x256xf32, #tpu.memory_space<vmem>> -> memref<64x256xf32, #tpu.memory_space<vmem>>
    tpu.enqueue_dma source(%dma_start3A_735 : memref<64x256xf32, #tpu.memory_space<vmem>>) target(%dma_start3A_731 : memref<64x256xf32, #tpu.memory_space<hbm>>) target_semaphore(%arg22 : memref<!tpu.dma_semaphore, #tpu.memory_space<semaphore_mem>>)
    %dma_wait3A_736 = arith.constant 4 : i32
    %dma_wait3A_737 = arith.constant 4 : i32
    %dma_wait3A_738 = arith.constant 0 : i32
    %dma_wait3A_739 = arith.constant 0 : i32
    %dma_wait3A_740 = tpu.memref_slice %arg9[%dma_wait3A_737, %dma_wait3A_738, %dma_wait3A_739] : memref<7x64x256xf32, #tpu.memory_space<vmem>> -> memref<1x64x256xf32, #tpu.memory_space<vmem>>
    %dma_wait3A_741 = tpu.memref_squeeze %dma_wait3A_740 : memref<1x64x256xf32, #tpu.memory_space<vmem>> -> memref<64x256xf32, #tpu.memory_space<vmem>>
    %dma_wait3A_742 = arith.constant 0 : i32
    %dma_wait3A_743 = tpu.memref_slice %arg8[%dma_wait3A_736, %dma_wait3A_742] : memref<8x64xi32, #tpu.memory_space<vmem>> -> memref<1x64xi32, #tpu.memory_space<vmem>>
    %dma_wait3A_744 = tpu.memref_squeeze %dma_wait3A_743 : memref<1x64xi32, #tpu.memory_space<vmem>> -> memref<64xi32, #tpu.memory_space<vmem>>
    %dma_wait3A_745 = arith.constant 0 : i32
    %dma_wait3A_746 = arith.constant 0 : i32
    %dma_wait3A_747 = tpu.memref_slice %arg4[%dma_wait3A_745, %dma_wait3A_746] : memref<65536x256xf32, #tpu.memory_space<hbm>> -> memref<65536x256xf32, #tpu.memory_space<hbm>>
    tpu.wait_indirect_dma semaphore(%arg16 : memref<!tpu.dma_semaphore, #tpu.memory_space<semaphore_mem>>) src(%dma_wait3A_747 : memref<65536x256xf32, #tpu.memory_space<hbm>>) dst(%dma_wait3A_741 : memref<64x256xf32, #tpu.memory_space<vmem>>)
    %add3A_748 = arith.constant 256 : i32
    %add3A_749 = arith.addi %mul3A_2, %add3A_748 : i32
    %dma_start3A_750 = arith.constant 4 : i32
    %dma_start3A_751 = arith.constant 0 : i32
    %dma_start3A_752 = arith.constant 0 : i32
    %dma_start3A_753 = tpu.memref_slice %arg9[%dma_start3A_750, %dma_start3A_751, %dma_start3A_752] : memref<7x64x256xf32, #tpu.memory_space<vmem>> -> memref<1x64x256xf32, #tpu.memory_space<vmem>>
    %dma_start3A_754 = tpu.memref_squeeze %dma_start3A_753 : memref<1x64x256xf32, #tpu.memory_space<vmem>> -> memref<64x256xf32, #tpu.memory_space<vmem>>
    %dma_start3A_755 = arith.constant 0 : i32
    %dma_start3A_756 = tpu.memref_slice %arg5[%add3A_749, %dma_start3A_755] : memref<16384x256xf32, #tpu.memory_space<hbm>> -> memref<64x256xf32, #tpu.memory_space<hbm>>
    %dma_start3A_757 = arith.constant 0 : i32
    %dma_start3A_758 = tpu.memref_slice %arg5[%add3A_749, %dma_start3A_757] : memref<16384x256xf32, #tpu.memory_space<hbm>> -> memref<64x256xf32, #tpu.memory_space<hbm>>
    %dma_start3A_759 = arith.constant 0 : i32
    %dma_start3A_760 = arith.constant 0 : i32
    %dma_start3A_761 = tpu.memref_slice %arg9[%dma_start3A_750, %dma_start3A_759, %dma_start3A_760] : memref<7x64x256xf32, #tpu.memory_space<vmem>> -> memref<1x64x256xf32, #tpu.memory_space<vmem>>
    %dma_start3A_762 = tpu.memref_squeeze %dma_start3A_761 : memref<1x64x256xf32, #tpu.memory_space<vmem>> -> memref<64x256xf32, #tpu.memory_space<vmem>>
    tpu.enqueue_dma source(%dma_start3A_762 : memref<64x256xf32, #tpu.memory_space<vmem>>) target(%dma_start3A_758 : memref<64x256xf32, #tpu.memory_space<hbm>>) target_semaphore(%arg23 : memref<!tpu.dma_semaphore, #tpu.memory_space<semaphore_mem>>)
    %dma_wait3A_763 = arith.constant 5 : i32
    %dma_wait3A_764 = arith.constant 5 : i32
    %dma_wait3A_765 = arith.constant 0 : i32
    %dma_wait3A_766 = arith.constant 0 : i32
    %dma_wait3A_767 = tpu.memref_slice %arg9[%dma_wait3A_764, %dma_wait3A_765, %dma_wait3A_766] : memref<7x64x256xf32, #tpu.memory_space<vmem>> -> memref<1x64x256xf32, #tpu.memory_space<vmem>>
    %dma_wait3A_768 = tpu.memref_squeeze %dma_wait3A_767 : memref<1x64x256xf32, #tpu.memory_space<vmem>> -> memref<64x256xf32, #tpu.memory_space<vmem>>
    %dma_wait3A_769 = arith.constant 0 : i32
    %dma_wait3A_770 = tpu.memref_slice %arg8[%dma_wait3A_763, %dma_wait3A_769] : memref<8x64xi32, #tpu.memory_space<vmem>> -> memref<1x64xi32, #tpu.memory_space<vmem>>
    %dma_wait3A_771 = tpu.memref_squeeze %dma_wait3A_770 : memref<1x64xi32, #tpu.memory_space<vmem>> -> memref<64xi32, #tpu.memory_space<vmem>>
    %dma_wait3A_772 = arith.constant 0 : i32
    %dma_wait3A_773 = arith.constant 0 : i32
    %dma_wait3A_774 = tpu.memref_slice %arg4[%dma_wait3A_772, %dma_wait3A_773] : memref<65536x256xf32, #tpu.memory_space<hbm>> -> memref<65536x256xf32, #tpu.memory_space<hbm>>
    tpu.wait_indirect_dma semaphore(%arg17 : memref<!tpu.dma_semaphore, #tpu.memory_space<semaphore_mem>>) src(%dma_wait3A_774 : memref<65536x256xf32, #tpu.memory_space<hbm>>) dst(%dma_wait3A_768 : memref<64x256xf32, #tpu.memory_space<vmem>>)
    %add3A_775 = arith.constant 320 : i32
    %add3A_776 = arith.addi %mul3A_2, %add3A_775 : i32
    %dma_start3A_777 = arith.constant 5 : i32
    %dma_start3A_778 = arith.constant 0 : i32
    %dma_start3A_779 = arith.constant 0 : i32
    %dma_start3A_780 = tpu.memref_slice %arg9[%dma_start3A_777, %dma_start3A_778, %dma_start3A_779] : memref<7x64x256xf32, #tpu.memory_space<vmem>> -> memref<1x64x256xf32, #tpu.memory_space<vmem>>
    %dma_start3A_781 = tpu.memref_squeeze %dma_start3A_780 : memref<1x64x256xf32, #tpu.memory_space<vmem>> -> memref<64x256xf32, #tpu.memory_space<vmem>>
    %dma_start3A_782 = arith.constant 0 : i32
    %dma_start3A_783 = tpu.memref_slice %arg5[%add3A_776, %dma_start3A_782] : memref<16384x256xf32, #tpu.memory_space<hbm>> -> memref<64x256xf32, #tpu.memory_space<hbm>>
    %dma_start3A_784 = arith.constant 0 : i32
    %dma_start3A_785 = tpu.memref_slice %arg5[%add3A_776, %dma_start3A_784] : memref<16384x256xf32, #tpu.memory_space<hbm>> -> memref<64x256xf32, #tpu.memory_space<hbm>>
    %dma_start3A_786 = arith.constant 0 : i32
    %dma_start3A_787 = arith.constant 0 : i32
    %dma_start3A_788 = tpu.memref_slice %arg9[%dma_start3A_777, %dma_start3A_786, %dma_start3A_787] : memref<7x64x256xf32, #tpu.memory_space<vmem>> -> memref<1x64x256xf32, #tpu.memory_space<vmem>>
    %dma_start3A_789 = tpu.memref_squeeze %dma_start3A_788 : memref<1x64x256xf32, #tpu.memory_space<vmem>> -> memref<64x256xf32, #tpu.memory_space<vmem>>
    tpu.enqueue_dma source(%dma_start3A_789 : memref<64x256xf32, #tpu.memory_space<vmem>>) target(%dma_start3A_785 : memref<64x256xf32, #tpu.memory_space<hbm>>) target_semaphore(%arg24 : memref<!tpu.dma_semaphore, #tpu.memory_space<semaphore_mem>>)
    %dma_wait3A_790 = arith.constant 6 : i32
    %dma_wait3A_791 = arith.constant 6 : i32
    %dma_wait3A_792 = arith.constant 0 : i32
    %dma_wait3A_793 = arith.constant 0 : i32
    %dma_wait3A_794 = tpu.memref_slice %arg9[%dma_wait3A_791, %dma_wait3A_792, %dma_wait3A_793] : memref<7x64x256xf32, #tpu.memory_space<vmem>> -> memref<1x64x256xf32, #tpu.memory_space<vmem>>
    %dma_wait3A_795 = tpu.memref_squeeze %dma_wait3A_794 : memref<1x64x256xf32, #tpu.memory_space<vmem>> -> memref<64x256xf32, #tpu.memory_space<vmem>>
    %dma_wait3A_796 = arith.constant 0 : i32
    %dma_wait3A_797 = tpu.memref_slice %arg8[%dma_wait3A_790, %dma_wait3A_796] : memref<8x64xi32, #tpu.memory_space<vmem>> -> memref<1x64xi32, #tpu.memory_space<vmem>>
    %dma_wait3A_798 = tpu.memref_squeeze %dma_wait3A_797 : memref<1x64xi32, #tpu.memory_space<vmem>> -> memref<64xi32, #tpu.memory_space<vmem>>
    %dma_wait3A_799 = arith.constant 0 : i32
    %dma_wait3A_800 = arith.constant 0 : i32
    %dma_wait3A_801 = tpu.memref_slice %arg4[%dma_wait3A_799, %dma_wait3A_800] : memref<65536x256xf32, #tpu.memory_space<hbm>> -> memref<65536x256xf32, #tpu.memory_space<hbm>>
    tpu.wait_indirect_dma semaphore(%arg18 : memref<!tpu.dma_semaphore, #tpu.memory_space<semaphore_mem>>) src(%dma_wait3A_801 : memref<65536x256xf32, #tpu.memory_space<hbm>>) dst(%dma_wait3A_795 : memref<64x256xf32, #tpu.memory_space<vmem>>)
    %add3A_802 = arith.constant 384 : i32
    %add3A_803 = arith.addi %mul3A_2, %add3A_802 : i32
    %dma_start3A_804 = arith.constant 6 : i32
    %dma_start3A_805 = arith.constant 0 : i32
    %dma_start3A_806 = arith.constant 0 : i32
    %dma_start3A_807 = tpu.memref_slice %arg9[%dma_start3A_804, %dma_start3A_805, %dma_start3A_806] : memref<7x64x256xf32, #tpu.memory_space<vmem>> -> memref<1x64x256xf32, #tpu.memory_space<vmem>>
    %dma_start3A_808 = tpu.memref_squeeze %dma_start3A_807 : memref<1x64x256xf32, #tpu.memory_space<vmem>> -> memref<64x256xf32, #tpu.memory_space<vmem>>
    %dma_start3A_809 = arith.constant 0 : i32
    %dma_start3A_810 = tpu.memref_slice %arg5[%add3A_803, %dma_start3A_809] : memref<16384x256xf32, #tpu.memory_space<hbm>> -> memref<64x256xf32, #tpu.memory_space<hbm>>
    %dma_start3A_811 = arith.constant 0 : i32
    %dma_start3A_812 = tpu.memref_slice %arg5[%add3A_803, %dma_start3A_811] : memref<16384x256xf32, #tpu.memory_space<hbm>> -> memref<64x256xf32, #tpu.memory_space<hbm>>
    %dma_start3A_813 = arith.constant 0 : i32
    %dma_start3A_814 = arith.constant 0 : i32
    %dma_start3A_815 = tpu.memref_slice %arg9[%dma_start3A_804, %dma_start3A_813, %dma_start3A_814] : memref<7x64x256xf32, #tpu.memory_space<vmem>> -> memref<1x64x256xf32, #tpu.memory_space<vmem>>
    %dma_start3A_816 = tpu.memref_squeeze %dma_start3A_815 : memref<1x64x256xf32, #tpu.memory_space<vmem>> -> memref<64x256xf32, #tpu.memory_space<vmem>>
    tpu.enqueue_dma source(%dma_start3A_816 : memref<64x256xf32, #tpu.memory_space<vmem>>) target(%dma_start3A_812 : memref<64x256xf32, #tpu.memory_space<hbm>>) target_semaphore(%arg25 : memref<!tpu.dma_semaphore, #tpu.memory_space<semaphore_mem>>)
    %dma_wait3A_817 = arith.constant 7 : i32
    %dma_wait3A_818 = arith.constant 0 : i32
    %dma_wait3A_819 = arith.constant 0 : i32
    %dma_wait3A_820 = arith.constant 0 : i32
    %dma_wait3A_821 = tpu.memref_slice %arg9[%dma_wait3A_818, %dma_wait3A_819, %dma_wait3A_820] : memref<7x64x256xf32, #tpu.memory_space<vmem>> -> memref<1x64x256xf32, #tpu.memory_space<vmem>>
    %dma_wait3A_822 = tpu.memref_squeeze %dma_wait3A_821 : memref<1x64x256xf32, #tpu.memory_space<vmem>> -> memref<64x256xf32, #tpu.memory_space<vmem>>
    %dma_wait3A_823 = arith.constant 0 : i32
    %dma_wait3A_824 = tpu.memref_slice %arg8[%dma_wait3A_817, %dma_wait3A_823] : memref<8x64xi32, #tpu.memory_space<vmem>> -> memref<1x64xi32, #tpu.memory_space<vmem>>
    %dma_wait3A_825 = tpu.memref_squeeze %dma_wait3A_824 : memref<1x64xi32, #tpu.memory_space<vmem>> -> memref<64xi32, #tpu.memory_space<vmem>>
    %dma_wait3A_826 = arith.constant 0 : i32
    %dma_wait3A_827 = arith.constant 0 : i32
    %dma_wait3A_828 = tpu.memref_slice %arg4[%dma_wait3A_826, %dma_wait3A_827] : memref<65536x256xf32, #tpu.memory_space<hbm>> -> memref<65536x256xf32, #tpu.memory_space<hbm>>
    tpu.wait_indirect_dma semaphore(%arg12 : memref<!tpu.dma_semaphore, #tpu.memory_space<semaphore_mem>>) src(%dma_wait3A_828 : memref<65536x256xf32, #tpu.memory_space<hbm>>) dst(%dma_wait3A_822 : memref<64x256xf32, #tpu.memory_space<vmem>>)
    %add3A_829 = arith.constant 448 : i32
    %add3A_830 = arith.addi %mul3A_2, %add3A_829 : i32
    %dma_start3A_831 = arith.constant 0 : i32
    %dma_start3A_832 = arith.constant 0 : i32
    %dma_start3A_833 = arith.constant 0 : i32
    %dma_start3A_834 = tpu.memref_slice %arg9[%dma_start3A_831, %dma_start3A_832, %dma_start3A_833] : memref<7x64x256xf32, #tpu.memory_space<vmem>> -> memref<1x64x256xf32, #tpu.memory_space<vmem>>
    %dma_start3A_835 = tpu.memref_squeeze %dma_start3A_834 : memref<1x64x256xf32, #tpu.memory_space<vmem>> -> memref<64x256xf32, #tpu.memory_space<vmem>>
    %dma_start3A_836 = arith.constant 0 : i32
    %dma_start3A_837 = tpu.memref_slice %arg5[%add3A_830, %dma_start3A_836] : memref<16384x256xf32, #tpu.memory_space<hbm>> -> memref<64x256xf32, #tpu.memory_space<hbm>>
    %dma_start3A_838 = arith.constant 0 : i32
    %dma_start3A_839 = tpu.memref_slice %arg5[%add3A_830, %dma_start3A_838] : memref<16384x256xf32, #tpu.memory_space<hbm>> -> memref<64x256xf32, #tpu.memory_space<hbm>>
    %dma_start3A_840 = arith.constant 0 : i32
    %dma_start3A_841 = arith.constant 0 : i32
    %dma_start3A_842 = tpu.memref_slice %arg9[%dma_start3A_831, %dma_start3A_840, %dma_start3A_841] : memref<7x64x256xf32, #tpu.memory_space<vmem>> -> memref<1x64x256xf32, #tpu.memory_space<vmem>>
    %dma_start3A_843 = tpu.memref_squeeze %dma_start3A_842 : memref<1x64x256xf32, #tpu.memory_space<vmem>> -> memref<64x256xf32, #tpu.memory_space<vmem>>
    tpu.enqueue_dma source(%dma_start3A_843 : memref<64x256xf32, #tpu.memory_space<vmem>>) target(%dma_start3A_839 : memref<64x256xf32, #tpu.memory_space<hbm>>) target_semaphore(%arg19 : memref<!tpu.dma_semaphore, #tpu.memory_space<semaphore_mem>>)
    %dma_wait3A_844 = arith.constant 1 : i32
    %dma_wait3A_845 = arith.constant 0 : i32
    %dma_wait3A_846 = arith.constant 0 : i32
    %dma_wait3A_847 = tpu.memref_slice %arg9[%dma_wait3A_844, %dma_wait3A_845, %dma_wait3A_846] : memref<7x64x256xf32, #tpu.memory_space<vmem>> -> memref<1x64x256xf32, #tpu.memory_space<vmem>>
    %dma_wait3A_848 = tpu.memref_squeeze %dma_wait3A_847 : memref<1x64x256xf32, #tpu.memory_space<vmem>> -> memref<64x256xf32, #tpu.memory_space<vmem>>
    %dma_wait3A_849 = arith.constant 0 : i32
    %dma_wait3A_850 = tpu.memref_slice %arg5[%add3A_643, %dma_wait3A_849] : memref<16384x256xf32, #tpu.memory_space<hbm>> -> memref<64x256xf32, #tpu.memory_space<hbm>>
    %dma_wait3A_851 = arith.constant 0 : i32
    %dma_wait3A_852 = tpu.memref_slice %arg5[%add3A_643, %dma_wait3A_851] : memref<16384x256xf32, #tpu.memory_space<hbm>> -> memref<64x256xf32, #tpu.memory_space<hbm>>
    %dma_wait3A_853 = arith.constant 0 : i32
    %dma_wait3A_854 = arith.constant 0 : i32
    %dma_wait3A_855 = tpu.memref_slice %arg9[%dma_wait3A_844, %dma_wait3A_853, %dma_wait3A_854] : memref<7x64x256xf32, #tpu.memory_space<vmem>> -> memref<1x64x256xf32, #tpu.memory_space<vmem>>
    %dma_wait3A_856 = tpu.memref_squeeze %dma_wait3A_855 : memref<1x64x256xf32, #tpu.memory_space<vmem>> -> memref<64x256xf32, #tpu.memory_space<vmem>>
    tpu.wait_dma2 semaphore(%arg20 : memref<!tpu.dma_semaphore, #tpu.memory_space<semaphore_mem>>) src(%dma_wait3A_856 : memref<64x256xf32, #tpu.memory_space<vmem>>) dst(%dma_wait3A_852 : memref<64x256xf32, #tpu.memory_space<hbm>>)
    %dma_wait3A_857 = arith.constant 2 : i32
    %dma_wait3A_858 = arith.constant 0 : i32
    %dma_wait3A_859 = arith.constant 0 : i32
    %dma_wait3A_860 = tpu.memref_slice %arg9[%dma_wait3A_857, %dma_wait3A_858, %dma_wait3A_859] : memref<7x64x256xf32, #tpu.memory_space<vmem>> -> memref<1x64x256xf32, #tpu.memory_space<vmem>>
    %dma_wait3A_861 = tpu.memref_squeeze %dma_wait3A_860 : memref<1x64x256xf32, #tpu.memory_space<vmem>> -> memref<64x256xf32, #tpu.memory_space<vmem>>
    %dma_wait3A_862 = arith.constant 0 : i32
    %dma_wait3A_863 = tpu.memref_slice %arg5[%add3A_695, %dma_wait3A_862] : memref<16384x256xf32, #tpu.memory_space<hbm>> -> memref<64x256xf32, #tpu.memory_space<hbm>>
    %dma_wait3A_864 = arith.constant 0 : i32
    %dma_wait3A_865 = tpu.memref_slice %arg5[%add3A_695, %dma_wait3A_864] : memref<16384x256xf32, #tpu.memory_space<hbm>> -> memref<64x256xf32, #tpu.memory_space<hbm>>
    %dma_wait3A_866 = arith.constant 0 : i32
    %dma_wait3A_867 = arith.constant 0 : i32
    %dma_wait3A_868 = tpu.memref_slice %arg9[%dma_wait3A_857, %dma_wait3A_866, %dma_wait3A_867] : memref<7x64x256xf32, #tpu.memory_space<vmem>> -> memref<1x64x256xf32, #tpu.memory_space<vmem>>
    %dma_wait3A_869 = tpu.memref_squeeze %dma_wait3A_868 : memref<1x64x256xf32, #tpu.memory_space<vmem>> -> memref<64x256xf32, #tpu.memory_space<vmem>>
    tpu.wait_dma2 semaphore(%arg21 : memref<!tpu.dma_semaphore, #tpu.memory_space<semaphore_mem>>) src(%dma_wait3A_869 : memref<64x256xf32, #tpu.memory_space<vmem>>) dst(%dma_wait3A_865 : memref<64x256xf32, #tpu.memory_space<hbm>>)
    %dma_wait3A_870 = arith.constant 3 : i32
    %dma_wait3A_871 = arith.constant 0 : i32
    %dma_wait3A_872 = arith.constant 0 : i32
    %dma_wait3A_873 = tpu.memref_slice %arg9[%dma_wait3A_870, %dma_wait3A_871, %dma_wait3A_872] : memref<7x64x256xf32, #tpu.memory_space<vmem>> -> memref<1x64x256xf32, #tpu.memory_space<vmem>>
    %dma_wait3A_874 = tpu.memref_squeeze %dma_wait3A_873 : memref<1x64x256xf32, #tpu.memory_space<vmem>> -> memref<64x256xf32, #tpu.memory_space<vmem>>
    %dma_wait3A_875 = arith.constant 0 : i32
    %dma_wait3A_876 = tpu.memref_slice %arg5[%add3A_722, %dma_wait3A_875] : memref<16384x256xf32, #tpu.memory_space<hbm>> -> memref<64x256xf32, #tpu.memory_space<hbm>>
    %dma_wait3A_877 = arith.constant 0 : i32
    %dma_wait3A_878 = tpu.memref_slice %arg5[%add3A_722, %dma_wait3A_877] : memref<16384x256xf32, #tpu.memory_space<hbm>> -> memref<64x256xf32, #tpu.memory_space<hbm>>
    %dma_wait3A_879 = arith.constant 0 : i32
    %dma_wait3A_880 = arith.constant 0 : i32
    %dma_wait3A_881 = tpu.memref_slice %arg9[%dma_wait3A_870, %dma_wait3A_879, %dma_wait3A_880] : memref<7x64x256xf32, #tpu.memory_space<vmem>> -> memref<1x64x256xf32, #tpu.memory_space<vmem>>
    %dma_wait3A_882 = tpu.memref_squeeze %dma_wait3A_881 : memref<1x64x256xf32, #tpu.memory_space<vmem>> -> memref<64x256xf32, #tpu.memory_space<vmem>>
    tpu.wait_dma2 semaphore(%arg22 : memref<!tpu.dma_semaphore, #tpu.memory_space<semaphore_mem>>) src(%dma_wait3A_882 : memref<64x256xf32, #tpu.memory_space<vmem>>) dst(%dma_wait3A_878 : memref<64x256xf32, #tpu.memory_space<hbm>>)
    %dma_wait3A_883 = arith.constant 4 : i32
    %dma_wait3A_884 = arith.constant 0 : i32
    %dma_wait3A_885 = arith.constant 0 : i32
    %dma_wait3A_886 = tpu.memref_slice %arg9[%dma_wait3A_883, %dma_wait3A_884, %dma_wait3A_885] : memref<7x64x256xf32, #tpu.memory_space<vmem>> -> memref<1x64x256xf32, #tpu.memory_space<vmem>>
    %dma_wait3A_887 = tpu.memref_squeeze %dma_wait3A_886 : memref<1x64x256xf32, #tpu.memory_space<vmem>> -> memref<64x256xf32, #tpu.memory_space<vmem>>
    %dma_wait3A_888 = arith.constant 0 : i32
    %dma_wait3A_889 = tpu.memref_slice %arg5[%add3A_749, %dma_wait3A_888] : memref<16384x256xf32, #tpu.memory_space<hbm>> -> memref<64x256xf32, #tpu.memory_space<hbm>>
    %dma_wait3A_890 = arith.constant 0 : i32
    %dma_wait3A_891 = tpu.memref_slice %arg5[%add3A_749, %dma_wait3A_890] : memref<16384x256xf32, #tpu.memory_space<hbm>> -> memref<64x256xf32, #tpu.memory_space<hbm>>
    %dma_wait3A_892 = arith.constant 0 : i32
    %dma_wait3A_893 = arith.constant 0 : i32
    %dma_wait3A_894 = tpu.memref_slice %arg9[%dma_wait3A_883, %dma_wait3A_892, %dma_wait3A_893] : memref<7x64x256xf32, #tpu.memory_space<vmem>> -> memref<1x64x256xf32, #tpu.memory_space<vmem>>
    %dma_wait3A_895 = tpu.memref_squeeze %dma_wait3A_894 : memref<1x64x256xf32, #tpu.memory_space<vmem>> -> memref<64x256xf32, #tpu.memory_space<vmem>>
    tpu.wait_dma2 semaphore(%arg23 : memref<!tpu.dma_semaphore, #tpu.memory_space<semaphore_mem>>) src(%dma_wait3A_895 : memref<64x256xf32, #tpu.memory_space<vmem>>) dst(%dma_wait3A_891 : memref<64x256xf32, #tpu.memory_space<hbm>>)
    %dma_wait3A_896 = arith.constant 5 : i32
    %dma_wait3A_897 = arith.constant 0 : i32
    %dma_wait3A_898 = arith.constant 0 : i32
    %dma_wait3A_899 = tpu.memref_slice %arg9[%dma_wait3A_896, %dma_wait3A_897, %dma_wait3A_898] : memref<7x64x256xf32, #tpu.memory_space<vmem>> -> memref<1x64x256xf32, #tpu.memory_space<vmem>>
    %dma_wait3A_900 = tpu.memref_squeeze %dma_wait3A_899 : memref<1x64x256xf32, #tpu.memory_space<vmem>> -> memref<64x256xf32, #tpu.memory_space<vmem>>
    %dma_wait3A_901 = arith.constant 0 : i32
    %dma_wait3A_902 = tpu.memref_slice %arg5[%add3A_776, %dma_wait3A_901] : memref<16384x256xf32, #tpu.memory_space<hbm>> -> memref<64x256xf32, #tpu.memory_space<hbm>>
    %dma_wait3A_903 = arith.constant 0 : i32
    %dma_wait3A_904 = tpu.memref_slice %arg5[%add3A_776, %dma_wait3A_903] : memref<16384x256xf32, #tpu.memory_space<hbm>> -> memref<64x256xf32, #tpu.memory_space<hbm>>
    %dma_wait3A_905 = arith.constant 0 : i32
    %dma_wait3A_906 = arith.constant 0 : i32
    %dma_wait3A_907 = tpu.memref_slice %arg9[%dma_wait3A_896, %dma_wait3A_905, %dma_wait3A_906] : memref<7x64x256xf32, #tpu.memory_space<vmem>> -> memref<1x64x256xf32, #tpu.memory_space<vmem>>
    %dma_wait3A_908 = tpu.memref_squeeze %dma_wait3A_907 : memref<1x64x256xf32, #tpu.memory_space<vmem>> -> memref<64x256xf32, #tpu.memory_space<vmem>>
    tpu.wait_dma2 semaphore(%arg24 : memref<!tpu.dma_semaphore, #tpu.memory_space<semaphore_mem>>) src(%dma_wait3A_908 : memref<64x256xf32, #tpu.memory_space<vmem>>) dst(%dma_wait3A_904 : memref<64x256xf32, #tpu.memory_space<hbm>>)
    %dma_wait3A_909 = arith.constant 6 : i32
    %dma_wait3A_910 = arith.constant 0 : i32
    %dma_wait3A_911 = arith.constant 0 : i32
    %dma_wait3A_912 = tpu.memref_slice %arg9[%dma_wait3A_909, %dma_wait3A_910, %dma_wait3A_911] : memref<7x64x256xf32, #tpu.memory_space<vmem>> -> memref<1x64x256xf32, #tpu.memory_space<vmem>>
    %dma_wait3A_913 = tpu.memref_squeeze %dma_wait3A_912 : memref<1x64x256xf32, #tpu.memory_space<vmem>> -> memref<64x256xf32, #tpu.memory_space<vmem>>
    %dma_wait3A_914 = arith.constant 0 : i32
    %dma_wait3A_915 = tpu.memref_slice %arg5[%add3A_803, %dma_wait3A_914] : memref<16384x256xf32, #tpu.memory_space<hbm>> -> memref<64x256xf32, #tpu.memory_space<hbm>>
    %dma_wait3A_916 = arith.constant 0 : i32
    %dma_wait3A_917 = tpu.memref_slice %arg5[%add3A_803, %dma_wait3A_916] : memref<16384x256xf32, #tpu.memory_space<hbm>> -> memref<64x256xf32, #tpu.memory_space<hbm>>
    %dma_wait3A_918 = arith.constant 0 : i32
    %dma_wait3A_919 = arith.constant 0 : i32
    %dma_wait3A_920 = tpu.memref_slice %arg9[%dma_wait3A_909, %dma_wait3A_918, %dma_wait3A_919] : memref<7x64x256xf32, #tpu.memory_space<vmem>> -> memref<1x64x256xf32, #tpu.memory_space<vmem>>
    %dma_wait3A_921 = tpu.memref_squeeze %dma_wait3A_920 : memref<1x64x256xf32, #tpu.memory_space<vmem>> -> memref<64x256xf32, #tpu.memory_space<vmem>>
    tpu.wait_dma2 semaphore(%arg25 : memref<!tpu.dma_semaphore, #tpu.memory_space<semaphore_mem>>) src(%dma_wait3A_921 : memref<64x256xf32, #tpu.memory_space<vmem>>) dst(%dma_wait3A_917 : memref<64x256xf32, #tpu.memory_space<hbm>>)
    %dma_wait3A_922 = arith.constant 0 : i32
    %dma_wait3A_923 = arith.constant 0 : i32
    %dma_wait3A_924 = arith.constant 0 : i32
    %dma_wait3A_925 = tpu.memref_slice %arg9[%dma_wait3A_922, %dma_wait3A_923, %dma_wait3A_924] : memref<7x64x256xf32, #tpu.memory_space<vmem>> -> memref<1x64x256xf32, #tpu.memory_space<vmem>>
    %dma_wait3A_926 = tpu.memref_squeeze %dma_wait3A_925 : memref<1x64x256xf32, #tpu.memory_space<vmem>> -> memref<64x256xf32, #tpu.memory_space<vmem>>
    %dma_wait3A_927 = arith.constant 0 : i32
    %dma_wait3A_928 = tpu.memref_slice %arg5[%add3A_830, %dma_wait3A_927] : memref<16384x256xf32, #tpu.memory_space<hbm>> -> memref<64x256xf32, #tpu.memory_space<hbm>>
    %dma_wait3A_929 = arith.constant 0 : i32
    %dma_wait3A_930 = tpu.memref_slice %arg5[%add3A_830, %dma_wait3A_929] : memref<16384x256xf32, #tpu.memory_space<hbm>> -> memref<64x256xf32, #tpu.memory_space<hbm>>
    %dma_wait3A_931 = arith.constant 0 : i32
    %dma_wait3A_932 = arith.constant 0 : i32
    %dma_wait3A_933 = tpu.memref_slice %arg9[%dma_wait3A_922, %dma_wait3A_931, %dma_wait3A_932] : memref<7x64x256xf32, #tpu.memory_space<vmem>> -> memref<1x64x256xf32, #tpu.memory_space<vmem>>
    %dma_wait3A_934 = tpu.memref_squeeze %dma_wait3A_933 : memref<1x64x256xf32, #tpu.memory_space<vmem>> -> memref<64x256xf32, #tpu.memory_space<vmem>>
    tpu.wait_dma2 semaphore(%arg19 : memref<!tpu.dma_semaphore, #tpu.memory_space<semaphore_mem>>) src(%dma_wait3A_934 : memref<64x256xf32, #tpu.memory_space<vmem>>) dst(%dma_wait3A_930 : memref<64x256xf32, #tpu.memory_space<hbm>>)
    return
  }
}

</mosaic_0001>

<sc_bundles>
// kernel: kernel.3.cloned.1.call-start
scs
__scs_entry_jumppad:
0x0: {  	(pc) =	sbr.rel $0x88, $3  }
0x1: {  	(tag) =	ssettag $0x0;
	lr =	simm.s32 $0x1  }
0x2: {  	[smem:$0x3F9F] =	sst lr;
	_ =	strace $0xD0000000  }
0x3: {  	_ = 	snop  }
0x4: {  	_ = 	snop  }
0x5: {  	_ = 	snop  }
0x6: {  	_ = 	snop  }
0x7: {  	_ = 	snop  }
__scs_overlays_trampoline_lowered:
0x8: {  	[smem:$0x3FAE] =	sst s0  }
0x9: {  	[smem:$0x3FAF] =	sst s1  }
0xa: {  	[smem:$0x3FB0] =	sst s2  }
0xb: {  	[smem:$0x3FB1] =	sst s3  }
0xc: {  	[smem:$0x3FB2] =	sst s4  }
0xd: {  	[smem:$0x3FB3] =	sst s5  }
0xe: {  	[smem:$0x3FB4] =	sst s6  }
0xf: {  	[smem:$0x3FB5] =	sst s7  }
0x10: {  	[smem:$0x3FB6] =	sst s8  }
0x11: {  	[smem:$0x3FB7] =	sst s9;
	s0 =	simm.s32 @!p0 $0x0  }
0x12: {  	s1 =	sld [smem:$0x3F9D];
	s0 =	simm.s32 @p0 $0x1  }
0x13: {  	[smem:$0x3FB8] =	sst s0;
	s0 =	simm.s32 @!p1 $0x0  }
0x14: {  	s2 =	sld [smem:$0x3F9C];
	s0 =	simm.s32 @p1 $0x1  }
0x15: {  	[smem:$0x3FB9] =	sst s0;
	s0 =	simm.s32 @!p2 $0x0  }
0x16: {  	s3 =	sld [smem:$0x3FDB];
	s0 =	simm.s32 @p2 $0x1  }
0x17: {  	s4 =	simm.s32 $0x1BF5;
	[smem:$0x3FBB] =	sst s0  }
0x18: {  	s0 =	sld [smem:$0x3F9E];
	_ =	swait.ge [sflag:s4], $0x0  }
0x19: {  	s7 =	sld [smem:$0x3F9F]  }
0x1a: {  	s8 =	sadd.s32 $0xFFFFE003, lr  }
0x1b: {  	s9 =	sadd.s32 $0xFFFFFEF7, lr;
	s5 =	simm.s32 $0xFFFFFFFF;
	p2 =	slt.u32 s8, $0xFFFFF086  }
0x1c: {  	p1 =	slt.u32 s9, $0xF7A;
	s5 =	simm.s32 @!p2 $0x0  }
0x1d: {  	s5 =	simm.s32 @p1 $0x1;
	p0 =	seq.s32 s7, s2  }
0x1e: {  	s7 =	smul.u32 @!p0 $0xF7A, s2;
	p2 =	seq.s32 @!p0 s5, $0x0  }
0x1f: {  	s9 =	smul.u32 $0xF7A, s1;
	s8 =	simm.s32 @!p0 $0x1BF5;
	p2 =	por !p2, p0  }
0x20: {  	[sflag:s8] =	ssyncset.s32 @!p0 $0xFFFFF086;
	s6 =	sadd.s32 @!p0 s3, s7;
	s7 =	simm.s32 @!p0 $0x108  }
0x21: {  	s3 =	sadd.s32 s3, s9;
	s6 =	sadd.s32 @!p0 $0x88, s6;
	s7 =	simm.s32 @p2 $0x1082  }
0x22: {  	[simem:s7], [sflag:s8] =	dma.local @!p0 [hbm:s6], $0xF7A  }
0x23: {  	s9 =	sor.u32 $0xD0000000, s2;
	s6 =	simm.s32 $0x108;
	_ =	swait.ge @!p0 [sflag:s8], $0x0  }
0x24: {  	s3 =	sadd.s32 $0x88, s3;
	s6 =	simm.s32 @!p1 $0x1082;
	[sflag:s4] =	ssyncset.s32 $0xFFFFF086  }
0x25: {  	[simem:s6], [sflag:s4] =	dma.local [hbm:s3], $0xF7A  }
0x26: {  	[smem:$0x3F9F] =	sst s1;
	(tag) =	ssettag s2;
	_ =	strace s9  }
0x27: {  	s1 =	sld [smem:$0x3FAF]  }
0x28: {  	s2 =	sld [smem:$0x3FB0]  }
0x29: {  	s4 =	sld [smem:$0x3FB2]  }
0x2a: {  	p0 =	seq.s32 s5, $0x0;
	s5 =	sld [smem:$0x3FB3]  }
0x2b: {  	s6 =	sld [smem:$0x3FB4]  }
0x2c: {  	s7 =	sld [smem:$0x3FB5]  }
0x2d: {  	s3 =	simm.s32 $0x108;
	s8 =	sld [smem:$0x3FB6]  }
0x2e: {  	s3 =	simm.s32 @!p0 $0x1082;
	s9 =	sld [smem:$0x3FB7]  }
0x2f: {  	lr =	sadd.s32 s0, s3;
	s0 =	sld [smem:$0x3FAE]  }
0x30: {  	s3 =	sld [smem:$0x3FB1]  }
0x31: {  	[smem:$0x3FBA] =	sst s10  }
0x32: {  	s10 =	sld [smem:$0x3FB8];
	_ =	sdelay $0x3  }
0x33: {  	p0 =	seq.s32 s10, $0x1;
	s10 =	sld [smem:$0x3FBA];
	_ =	sdelay $0x3  }
0x34: {  	[smem:$0x3FBA] =	sst s10  }
0x35: {  	s10 =	sld [smem:$0x3FB9];
	_ =	sdelay $0x3  }
0x36: {  	p1 =	seq.s32 s10, $0x1;
	s10 =	sld [smem:$0x3FBA];
	_ =	sdelay $0x3  }
0x37: {  	[smem:$0x3FBA] =	sst s10  }
0x38: {  	s10 =	sld [smem:$0x3FBB]  }
0x39: {  	_ = 	snop;
	(pc) =	sbr.ind lr, $3  }
0x3a: {  	_ = 	snop  }
0x3b: {  	_ = 	snop  }
0x3c: {  	p2 =	seq.s32 s10, $0x1;
	s10 =	sld [smem:$0x3FBA]  }
0x3d: {  	_ =	shalt  }
0x3e: {  	_ =	shalt  }
0x3f: {  	_ =	shalt  }
0x40: {  	_ =	shalt  }
0x41: {  	_ =	shalt  }
0x42: {  	_ =	shalt  }
0x43: {  	_ =	shalt  }
0x44: {  	_ =	shalt  }
0x45: {  	_ =	shalt  }
0x46: {  	_ =	shalt  }
0x47: {  	_ =	shalt  }
0x48: {  	_ =	shalt  }
0x49: {  	_ =	shalt  }
0x4a: {  	_ =	shalt  }
0x4b: {  	_ =	shalt  }
0x4c: {  	_ =	shalt  }
0x4d: {  	_ =	shalt  }
0x4e: {  	_ =	shalt  }
0x4f: {  	_ =	shalt  }
0x50: {  	_ =	shalt  }
0x51: {  	_ =	shalt  }
0x52: {  	_ =	shalt  }
0x53: {  	_ =	shalt  }
0x54: {  	_ =	shalt  }
0x55: {  	_ =	shalt  }
0x56: {  	_ =	shalt  }
0x57: {  	_ =	shalt  }
0x58: {  	_ =	shalt  }
0x59: {  	_ =	shalt  }
0x5a: {  	_ =	shalt  }
0x5b: {  	_ =	shalt  }
0x5c: {  	_ =	shalt  }
0x5d: {  	_ =	shalt  }
0x5e: {  	_ =	shalt  }
0x5f: {  	_ =	shalt  }
0x60: {  	_ =	shalt  }
0x61: {  	_ =	shalt  }
0x62: {  	_ =	shalt  }
0x63: {  	_ =	shalt  }
0x64: {  	_ =	shalt  }
0x65: {  	_ =	shalt  }
0x66: {  	_ =	shalt  }
0x67: {  	_ =	shalt  }
0x68: {  	_ =	shalt  }
0x69: {  	_ =	shalt  }
0x6a: {  	_ =	shalt  }
0x6b: {  	_ =	shalt  }
0x6c: {  	_ =	shalt  }
0x6d: {  	_ =	shalt  }
0x6e: {  	_ =	shalt  }
0x6f: {  	_ =	shalt  }
0x70: {  	_ =	shalt  }
0x71: {  	_ =	shalt  }
0x72: {  	_ =	shalt  }
0x73: {  	_ =	shalt  }
0x74: {  	_ =	shalt  }
0x75: {  	_ =	shalt  }
0x76: {  	_ =	shalt  }
0x77: {  	_ =	shalt  }
0x78: {  	_ =	shalt  }
0x79: {  	_ =	shalt  }
0x7a: {  	_ =	shalt  }
0x7b: {  	_ =	shalt  }
0x7c: {  	_ =	shalt  }
0x7d: {  	_ =	shalt  }
0x7e: {  	_ =	shalt  }
0x7f: {  	_ =	shalt  }
0x80: {  	_ =	shalt  }
0x81: {  	_ =	shalt  }
0x82: {  	_ =	shalt  }
0x83: {  	_ =	shalt  }
0x84: {  	_ =	shalt  }
0x85: {  	_ =	shalt  }
0x86: {  	_ =	shalt  }
0x87: {  	_ =	shalt  }
.Lfunc_end0:
.L_simem_size_0:
called_computation_lowered:
.L_overlay_start_0:
0x88: {  	s2 =	sld [smem:$0x3FD9]  }
0x89: {  	s3 =	sld [smem:$0x3FFE];
	_ =	sdelay $0x1  }
0x8a: {  	s1 =	srdreg.scid  }
0x8b: {  	s0 =	sand.u32 $0x1, s1  }
0x8c: {  	s17 =	sshll.u32 s0, $0xA;
	s2 =	sadd.s32 s3, s2  }
0x8d: {  	s2 =	sadd.s32 s2, s17  }
0x8e: {  	[smem:$0x3FC6] =	sst s2  }
0x8f: {  	_ = 	snop  }
0x90: {  	s2 =	sld [smem:$0x3FC8]  }
0x91: {  	s18 =	sld [smem:$0x3FD0];
	(tm) =	ssettm $0x1  }
0x92: {  	s4 =	sld [smem:$0x3FFB];
	_ =	sdelay $0x3  }
0x93: {  	_ =	strace s4  }
0x94: {  	s4 =	sld [smem:$0x3FFC];
	_ =	sdelay $0x3  }
0x95: {  	_ =	strace s4  }
0x96: {  	s4 =	sld [smem:$0x3FFD];
	_ =	sdelay $0x3  }
0x97: {  	_ =	strace s4  }
0x98: {  	_ =	strace $0x8FFFFFFF  }
0x99: {  	s19 =	sld [smem:$0x3FDB];
	_ =	sdelay $0x1  }
0x9a: {  	s5 =	simm.s32 $_scs_section_size  }
0x9b: {  	s6 =	simm.s32 $_size__tile_overlayer_lowered;
	s7 =	simm.s32 $_tile_overlayer_lowered  }
0x9c: {  	s22 =	simm.s32 $0x1BFF;
	s21 =	sshll.u32 s7, $0x1;
	s4 =	sadd.s32 s5, s19  }
0x9d: {  	s8 =	simm.s32 $0x0;
	s20 =	sshll.u32 s6, $0x1;
	s6 =	sadd.s32 s21, s4  }
0x9e: {  	[timem:s8], [sflag:s22] =	dma.local [hbm:s6], s20  }
0x9f: {  	_ =	swait.ge [sflag:s22], s20  }
0xa0: {  	s5 =	ssub.s32 $0x0, s20;
	[sflag:s22] =	ssyncset.done $0x0  }
0xa1: {  	[sflag:s22] =	ssyncadd.s32 s5;
	_ =	sdelay $0x1  }
0xa2: {  	s23 =	simm.s32 $0x1B8B  }
0xa3: {  	_ =	swait.ge [sflag:s23], $0x1  }
0xa4: {  	[sflag:s23] =	ssyncset.done $0x0  }
0xa5: {  	s25 =	simm.s32 $0x1B8E;
	s24 =	sld [smem:$0x3FFE];
	[sflag:s23] =	ssyncadd.s32 $0xFFFFFFFF  }
0xa6: {  	s26 =	simm.s32 $execute0_lowered;
	[smem:$0x3FD2] =	sst s25  }
0xa7: {  	s6 =	sshll.u32 s26, $0x1;
	_ =	strace $0x80000046;
	[dreg:$0x1] =	wrdreg $0xFFFFFFFF  }
0xa8: {  	s28 =	simm.s32 $_size_execute0_lowered;
	s4 =	sadd.s32 s4, s6;
	[dreg:$0x0] =	wrdreg $0x0  }
0xa9: {  	s6 =	sshll.u32 s28, $0x1;
	[dreg:$0x2] =	wrdreg s4  }
0xaa: {  	[dreg:$0x3] =	wrdreg s6  }
0xab: {  	[dreg:$0x4] =	wrdreg $0xC0  }
0xac: {  	_ =	task [dreg:s8], $0x5FFFF  }
0xad: {  	[dreg:$0x1] =	wrdreg $0xFFFFFFFF  }
0xae: {  	[dreg:$0x0] =	wrdreg $0x60  }
0xaf: {  	[dreg:$0x2] =	wrdreg s24  }
0xb0: {  	[dreg:$0x3] =	wrdreg s2  }
0xb1: {  	[dreg:$0x4] =	wrdreg s18  }
0xb2: {  	[dreg:$0x5] =	wrdreg $0x9  }
0xb3: {  	_ =	task.clear_ibuf [dreg:s8], $0x6FFFF;
	_ =	strace $0x90000046  }
0xb4: {  	s29 =	simm.s32 $0x9;
	_ =	strace $0x80000048  }
0xb5: {  	_ =	swait.ge [sflag:s29], $0x1  }
0xb6: {  	[sflag:s29] =	ssyncadd.s32 $0xFFFFFFFF  }
0xb7: {  	_ =	strace $0x90000048  }
0xb8: {  	_ =	sfence  }
0xb9: {  	s30 =	sld [smem:$0x0];
	_ =	sdelay $0x2  }
0xba: {  	s31 =	sshll.u32 s1, $0xD;
	s1 =	sshrl.u32 s1, $0x2  }
0xbb: {  	s3 =	sand.u32 $0x4000, s31;
	s1 =	sadd.s32 s1, s30  }
0xbc: {  	s0 =	sor.u32 s3, s0;
	s1 =	sshll.u32 s1, $0x11  }
0xbd: {  	s0 =	sor.u32 s1, s0  }
0xbe: {  	s0 =	sadd.s32 $0x8F2B, s0  }
0xbf: {  	[sflag:s0] =	ssyncadd.remote.s32 $0x1  }
0xc0: {  	_ =	sfence.sel $0xFFFF  }
0xc1: {  	[dreg:$0x0] =	wrdreg $0xFFFFFFFF;
	(pc) =	sbr.abs _section_cstart, $3  }
0xc2: {  	[dreg:$0x1] =	wrdreg $0xFFFFFFFF  }
0xc3: {  	_ =	task.clear_ibuf [dreg:s8], $0x2FFFF;
	_ =	strace $0x9FFFFFFF  }
0xc4: {  	(tm) =	ssettm $0x7FFFFFFF  }
0xc5: {  	_ =	shalt  }
tec
execute0_lowered:
.L_overlay_start_1:
0x0: {  	(tag) =	ssettag $0x1  }
0x1: {  	s0 =	srdreg.scid  }
0x2: {  	s1 =	rddreg [dreg:$0x0];
	s3 =	stileid.u32;
	s0 =	sand.u32 $0x1, s0  }
0x3: {  	s2 =	rddreg [dreg:$0x1];
	s3 =	sshll.u32 s3, $0xA;
	s4 =	sshll.u32 s0, $0x9  }
0x4: {  	s5 =	rddreg [dreg:$0x2];
	s4 =	sor.u32 s4, s3;
	s3 =	simm.s32 $0x0  }
0x5: {  	s7 =	simm.s32 $0x5000;
	[smem:$0x7FF] =	sst s3  }
0x6: {  	s8 =	simm.s32 $0x5800;
	_ =	strace $0x80000047;
	[dreg:$0xe] =	wrdreg s7  }
0x7: {  	s9 =	simm.s32 $0x6000;
	[dreg:$0xf] =	wrdreg s8  }
0x8: {  	s10 =	simm.s32 $0x6800;
	[dreg:$0x10] =	wrdreg s9  }
0x9: {  	s11 =	simm.s32 $0x7000;
	[dreg:$0x11] =	wrdreg s10  }
0xa: {  	s12 =	simm.s32 $0x7800;
	[dreg:$0x12] =	wrdreg s11  }
0xb: {  	s13 =	simm.s32 $0x8000;
	[dreg:$0x13] =	wrdreg s12  }
0xc: {  	s14 =	simm.s32 $0x9000;
	[dreg:$0x14] =	wrdreg s13  }
0xd: {  	s15 =	simm.s32 $0x9800;
	[dreg:$0x15] =	wrdreg s14  }
0xe: {  	s16 =	simm.s32 $0xA000;
	[dreg:$0x16] =	wrdreg s15  }
0xf: {  	s17 =	simm.s32 $0xA800;
	[dreg:$0x17] =	wrdreg s16  }
0x10: {  	s18 =	simm.s32 $0xB000;
	[dreg:$0x18] =	wrdreg s17  }
0x11: {  	s19 =	simm.s32 $0xB800;
	s20 =	simm.s32 $0xC000;
	[dreg:$0x19] =	wrdreg s18  }
0x12: {  	s6 =	sshrl.u32 s4, $0x3;
	s4 =	sshll.u32 s4, $0x5;
	[dreg:$0x1a] =	wrdreg s19  }
0x13: {  	s4 =	sadd.s32 s5, s4;
	[dreg:$0x1b] =	wrdreg s20  }
0x14: {  	s8 =	simm.s32 $0x12000;
	[smem:$0x7E5] =	sst s4  }
0x15: {  	s9 =	simm.s32 $0x12800;
	[smem:$0x7EB] =	sst s8  }
0x16: {  	s10 =	simm.s32 $0x13000;
	[smem:$0x7EC] =	sst s9  }
0x17: {  	s11 =	simm.s32 $0x13800;
	[smem:$0x7ED] =	sst s10  }
0x18: {  	s12 =	simm.s32 $0x14000;
	[smem:$0x7EE] =	sst s11  }
0x19: {  	s13 =	simm.s32 $0x15000;
	[smem:$0x7EF] =	sst s12  }
0x1a: {  	s14 =	simm.s32 $0x15800;
	[smem:$0x7F0] =	sst s13  }
0x1b: {  	s15 =	simm.s32 $0x16000;
	[smem:$0x7F1] =	sst s14  }
0x1c: {  	s16 =	simm.s32 $0x16800;
	[smem:$0x7F2] =	sst s15  }
0x1d: {  	s17 =	simm.s32 $0x17000;
	[smem:$0x7F3] =	sst s16  }
0x1e: {  	s18 =	simm.s32 $0x17800;
	[smem:$0x7F4] =	sst s17  }
0x1f: {  	s19 =	simm.s32 $0x18000;
	[smem:$0x7F5] =	sst s18  }
0x20: {  	s1 =	sadd.s32 s6, s1;
	s20 =	simm.s32 $0x19000;
	[smem:$0x7F6] =	sst s19  }
0x21: {  	s6 =	sadd.s32 $0xE00, s1;
	[smem:$0x7F7] =	sst s20  }
0x22: {  	s1 =	sadd.s32 $0x600, s1;
	[dreg:$0x4] =	wrdreg s6  }
0x23: {  	s21 =	sadd.s32 $0x800, s4;
	[dreg:$0x5] =	wrdreg s1  }
0x24: {  	s22 =	sadd.s32 $0x1000, s4;
	[dreg:$0x6] =	wrdreg s21  }
0x25: {  	s23 =	sadd.s32 $0x1800, s4;
	[dreg:$0x7] =	wrdreg s22  }
0x26: {  	s28 =	simm.s32 $0x7;
	s24 =	sadd.s32 $0x2000, s4;
	[dreg:$0x8] =	wrdreg s23  }
0x27: {  	s29 =	simm.s32 $0x8;
	s25 =	sadd.s32 $0x2800, s4;
	[dreg:$0x9] =	wrdreg s24  }
0x28: {  	s30 =	simm.s32 $0x9;
	s26 =	sadd.s32 $0x3000, s4;
	[dreg:$0xa] =	wrdreg s25  }
0x29: {  	s31 =	simm.s32 $0xB;
	s5 =	sadd.s32 $0x3800, s4;
	[dreg:$0xb] =	wrdreg s26  }
0x2a: {  	s0 =	ssub.s32 $0x2, s0;
	s4 =	simm.s32 $0x10000;
	[dreg:$0xc] =	wrdreg s5  }
0x2b: {  	s7 =	sshrl.u32 s0, $0x1;
	s6 =	simm.s32 $0x200;
	[smem:$0x7E8] =	sst s4  }
0x2c: {  	s0 =	ssub.s32 s0, s7;
	s21 =	simm.s32 $0xD000;
	[dreg:$0xd] =	wrdreg s6  }
0x2d: {  	s8 =	simm.s32 $0x800;
	s22 =	simm.s32 $0xD800;
	[dreg:$0x1c] =	wrdreg s21  }
0x2e: {  	s9 =	simm.s32 $0xE;
	s23 =	simm.s32 $0xE000;
	[dreg:$0x1d] =	wrdreg s22  }
0x2f: {  	s10 =	simm.s32 $0xF;
	s24 =	simm.s32 $0xE800;
	[dreg:$0x1e] =	wrdreg s23  }
0x30: {  	s11 =	simm.s32 $0x10;
	s25 =	simm.s32 $0xF000;
	[dreg:$0x1f] =	wrdreg s24  }
0x31: {  	s15 =	simm.s32 $0x1800;
	s26 =	simm.s32 $0xF800;
	[smem:$0x7E6] =	sst s25  }
0x32: {  	s16 =	simm.s32 $0x2000;
	s5 =	simm.s32 $0x11000;
	[smem:$0x7E7] =	sst s26  }
0x33: {  	s17 =	simm.s32 $0x2800;
	[smem:$0x7E9] =	sst s5;
	s6 =	simm.s32 $0x11800  }
0x34: {  	s18 =	simm.s32 $0x3000;
	s21 =	simm.s32 $0x19800;
	[smem:$0x7EA] =	sst s6  }
0x35: {  	s19 =	simm.s32 $0x3800;
	s22 =	simm.s32 $0x1A000;
	[smem:$0x7F8] =	sst s21  }
0x36: {  	s20 =	simm.s32 $0x4000;
	s23 =	simm.s32 $0x1A800;
	[smem:$0x7F9] =	sst s22  }
0x37: {  	s7 =	simm.s32 $0x10800;
	s24 =	simm.s32 $0x1B000;
	[smem:$0x7FA] =	sst s23  }
0x38: {  	s1 =	simm.s32 $0xC;
	s25 =	simm.s32 $0x1B800;
	[smem:$0x7FB] =	sst s24  }
0x39: {  	s5 =	smax.u32 s0, $0x1;
	s26 =	simm.s32 $0x1C000;
	[smem:$0x7FC] =	sst s25  }
0x3a: {  	v2 =	vlaneseq.u32;
	s0 =	simm.s32 $0xD;
	s21 =	simm.s32 $0x3;
	[smem:$0x7FD] =	sst s26  }
0x3b: {  	vm0 =	vmmov $0xffff;
	v1 =	vshrl.u32 v2, $0x3;
	s24 =	simm.s32 $0xA;
	s26 =	simm.s32 $0x6;
	s22 =	simm.s32 $0x4800  }
0x3c: {  	v0 =	vand.u32 $0x7, v2;
	v2 =	vor.u32 $0x8, v2;
	v1 =	vmul.u32 $0x8, v1;
	s6 =	simm.s32 $0xC800;
	s23 =	simm.s32 $0x14800;
	s25 =	simm.s32 $0x18800  }
.LBB2_1:
0x3d: {  	s12 =	rddreg [dreg:$0x4]  }
0x3e: {  	s13 =	rddreg [dreg:$0x5]  }
0x3f: {  	[tilespmem:s3], [sflag:$0x1] =	stream.linear.gather [hbm4b:s12+s3], $0x200, $0x38;
	[tilespmem:$0x1C800] =	vst v63  }
0x40: {  	s14 =	rddreg [dreg:$0xd];
	s4 =	simm.s32 $0x1  }
0x41: {  	[tilespmem:s14], [sflag:$0x2] =	stream.linear.gather [hbm4b:s13+s3], $0x200, $0x38;
	[tilespmem:$0x1C800] =	vst v63  }
0x42: {  	_ =	swait.ge [sflag:s4], $0x200  }
0x43: {  	[sflag:s4] =	ssyncset.done $0x0  }
0x44: {  	s14 =	simm.s32 $0x2;
	[sflag:s4] =	ssyncadd.s32 $0xFFFFFE00  }
0x45: {  	_ =	swait.ge [sflag:s14], $0x200  }
0x46: {  	[sflag:s14] =	ssyncset.done $0x0  }
0x47: {  	[sflag:s14] =	ssyncadd.s32 $0xFFFFFE00  }
0x48: {  	v3 =	vld [tilespmem:$0x0]  }
0x49: {  	v4 =	vld [tilespmem:$0x200];
	_ =	sdelay $0x3  }
0x4a: {  	v5 =	vld [tilespmem:$0x10];
	v3 =	vshll.u32 v3, $0x8  }
0x4b: {  	v6 =	vld [tilespmem:$0x210];
	v3 =	vadd.s32 v4, v3  }
0x4c: {  	v7 =	vld [tilespmem:$0x20];
	v8 =	vshll.u32 v3, $0x1  }
0x4d: {  	v9 =	vld [tilespmem:$0x220];
	v4 =	vand.u32 $0x7, v4;
	v8 =	vand.u32 $0xFFFFFFF0, v8  }
0x4e: {  	v10 =	vld [tilespmem:$0x30];
	v4 =	vor.u32 v4, v8  }
0x4f: {  	v23 =	vld [tilespmem:$0x230];
	v11 =	vperm.xlane v4, v0;
	_ =	sdelay $0x1  }
0x50: {  	v5 =	vshll.u32 v5, $0x8;
	v4 =	vperm.xlane v4, v2;
	v11 =	vadd.s32 v1, v11  }
0x51: {  	v24 =	vshll.u32 v7, $0x8;
	[tilespmem:$0x400] =	vst v3;
	v3 =	vadd.s32 v6, v5  }
0x52: {  	v25 =	vshll.u32 v10, $0x8;
	[tilespmem:$0x410] =	vst v3;
	v3 =	vadd.s32 v9, v24;
	v4 =	vadd.s32 v1, v4  }
0x53: {  	[tilespmem:$0x420] =	vst v3;
	v3 =	vadd.s32 v23, v25  }
0x54: {  	[tilespmem:$0x430] =	vst v3  }
0x55: {  	[tilespmem:s8], [sflag:$0x3] =	stream.indirect_vreg.gather [hbm4b:s2+s3], $0x80, v11, vm0, $0xb8;
	[tilespmem:$0x1C800] =	vst v63  }
0x56: {  	s14 =	simm.s32 $0x1000  }
0x57: {  	[tilespmem:s14], [sflag:$0x3] =	stream.indirect_vreg.gather [hbm4b:s2+s3], $0x80, v4, vm0, $0xb8;
	[tilespmem:$0x1C800] =	vst v63  }
0x58: {  	v3 =	vld [tilespmem:$0x410];
	_ =	sdelay $0x4  }
0x59: {  	v26 =	vshll.u32 v3, $0x1  }
0x5a: {  	v3 =	vand.u32 $0x7, v3;
	v4 =	vand.u32 $0xFFFFFFF0, v26  }
0x5b: {  	v3 =	vor.u32 v3, v4  }
0x5c: {  	v4 =	vperm.xlane v3, v0;
	_ =	sdelay $0x1  }
0x5d: {  	v3 =	vperm.xlane v3, v2;
	v4 =	vadd.s32 v1, v4;
	_ =	sdelay $0x1  }
0x5e: {  	v3 =	vadd.s32 v1, v3;
	_ =	sdelay $0x2  }
0x5f: {  	[tilespmem:s15], [sflag:$0x3] =	stream.indirect_vreg.gather [hbm4b:s2+s3], $0x80, v4, vm0, $0xb8;
	[tilespmem:$0x1C800] =	vst v63  }
0x60: {  	_ = 	snop  }
0x61: {  	[tilespmem:s16], [sflag:$0x3] =	stream.indirect_vreg.gather [hbm4b:s2+s3], $0x80, v3, vm0, $0xb8;
	[tilespmem:$0x1C800] =	vst v63  }
0x62: {  	v3 =	vld [tilespmem:$0x420];
	_ =	sdelay $0x4  }
0x63: {  	v27 =	vshll.u32 v3, $0x1  }
0x64: {  	v3 =	vand.u32 $0x7, v3;
	v4 =	vand.u32 $0xFFFFFFF0, v27  }
0x65: {  	v3 =	vor.u32 v3, v4  }
0x66: {  	v4 =	vperm.xlane v3, v0;
	_ =	sdelay $0x1  }
0x67: {  	v3 =	vperm.xlane v3, v2;
	v4 =	vadd.s32 v1, v4;
	_ =	sdelay $0x1  }
0x68: {  	v3 =	vadd.s32 v1, v3;
	_ =	sdelay $0x2  }
0x69: {  	[tilespmem:s17], [sflag:$0x3] =	stream.indirect_vreg.gather [hbm4b:s2+s3], $0x80, v4, vm0, $0xb8;
	[tilespmem:$0x1C800] =	vst v63  }
0x6a: {  	_ = 	snop  }
0x6b: {  	[tilespmem:s18], [sflag:$0x3] =	stream.indirect_vreg.gather [hbm4b:s2+s3], $0x80, v3, vm0, $0xb8;
	[tilespmem:$0x1C800] =	vst v63  }
0x6c: {  	v3 =	vld [tilespmem:$0x430];
	_ =	sdelay $0x4  }
0x6d: {  	v28 =	vshll.u32 v3, $0x1  }
0x6e: {  	v3 =	vand.u32 $0x7, v3;
	v4 =	vand.u32 $0xFFFFFFF0, v28  }
0x6f: {  	v3 =	vor.u32 v3, v4  }
0x70: {  	v4 =	vperm.xlane v3, v0;
	_ =	sdelay $0x1  }
0x71: {  	v3 =	vperm.xlane v3, v2;
	v4 =	vadd.s32 v1, v4;
	_ =	sdelay $0x1  }
0x72: {  	v3 =	vadd.s32 v1, v3;
	_ =	sdelay $0x2  }
0x73: {  	[tilespmem:s19], [sflag:$0x3] =	stream.indirect_vreg.gather [hbm4b:s2+s3], $0x80, v4, vm0, $0xb8;
	[tilespmem:$0x1C800] =	vst v63  }
0x74: {  	_ = 	snop  }
0x75: {  	[tilespmem:s20], [sflag:$0x3] =	stream.indirect_vreg.gather [hbm4b:s2+s3], $0x80, v3, vm0, $0xb8;
	[tilespmem:$0x1C800] =	vst v63  }
0x76: {  	v3 =	vld [tilespmem:$0x40]  }
0x77: {  	v4 =	vld [tilespmem:$0x240];
	_ =	sdelay $0x3  }
0x78: {  	v29 =	vld [tilespmem:$0x50];
	v3 =	vshll.u32 v3, $0x8  }
0x79: {  	v30 =	vld [tilespmem:$0x250];
	v3 =	vadd.s32 v4, v3  }
0x7a: {  	v31 =	vld [tilespmem:$0x60];
	v32 =	vshll.u32 v3, $0x1  }
0x7b: {  	v33 =	vld [tilespmem:$0x260];
	v4 =	vand.u32 $0x7, v4;
	v8 =	vand.u32 $0xFFFFFFF0, v32  }
0x7c: {  	v34 =	vld [tilespmem:$0x70];
	v4 =	vor.u32 v4, v8  }
0x7d: {  	v35 =	vld [tilespmem:$0x270];
	v36 =	vperm.xlane v4, v0;
	_ =	sdelay $0x1  }
0x7e: {  	v5 =	vshll.u32 v29, $0x8;
	v4 =	vperm.xlane v4, v2;
	v11 =	vadd.s32 v1, v36  }
0x7f: {  	v37 =	vshll.u32 v31, $0x8;
	[tilespmem:$0x480] =	vst v3;
	v3 =	vadd.s32 v30, v5  }
0x80: {  	v38 =	vshll.u32 v34, $0x8;
	[tilespmem:$0x490] =	vst v3;
	v3 =	vadd.s32 v33, v37;
	v4 =	vadd.s32 v1, v4  }
0x81: {  	[tilespmem:$0x4A0] =	vst v3;
	v3 =	vadd.s32 v35, v38  }
0x82: {  	[tilespmem:$0x4B0] =	vst v3  }
0x83: {  	[tilespmem:s22], [sflag:$0x4] =	stream.indirect_vreg.gather [hbm4b:s2+s3], $0x80, v11, vm0, $0xb8;
	[tilespmem:$0x1C800] =	vst v63  }
0x84: {  	s4 =	rddreg [dreg:$0xe]  }
0x85: {  	[tilespmem:s4], [sflag:$0x4] =	stream.indirect_vreg.gather [hbm4b:s2+s3], $0x80, v4, vm0, $0xb8;
	[tilespmem:$0x1C800] =	vst v63  }
0x86: {  	v3 =	vld [tilespmem:$0x490];
	_ =	sdelay $0x4  }
0x87: {  	v39 =	vshll.u32 v3, $0x1  }
0x88: {  	v3 =	vand.u32 $0x7, v3;
	v4 =	vand.u32 $0xFFFFFFF0, v39  }
0x89: {  	v3 =	vor.u32 v3, v4  }
0x8a: {  	v4 =	vperm.xlane v3, v0;
	_ =	sdelay $0x1  }
0x8b: {  	v3 =	vperm.xlane v3, v2;
	v4 =	vadd.s32 v1, v4;
	_ =	sdelay $0x1  }
0x8c: {  	v3 =	vadd.s32 v1, v3;
	_ =	sdelay $0x1  }
0x8d: {  	s13 =	rddreg [dreg:$0xf]  }
0x8e: {  	[tilespmem:s13], [sflag:$0x4] =	stream.indirect_vreg.gather [hbm4b:s2+s3], $0x80, v4, vm0, $0xb8;
	[tilespmem:$0x1C800] =	vst v63  }
0x8f: {  	s4 =	rddreg [dreg:$0x10]  }
0x90: {  	[tilespmem:s4], [sflag:$0x4] =	stream.indirect_vreg.gather [hbm4b:s2+s3], $0x80, v3, vm0, $0xb8;
	[tilespmem:$0x1C800] =	vst v63  }
0x91: {  	v3 =	vld [tilespmem:$0x4A0];
	_ =	sdelay $0x4  }
0x92: {  	v40 =	vshll.u32 v3, $0x1  }
0x93: {  	v3 =	vand.u32 $0x7, v3;
	v4 =	vand.u32 $0xFFFFFFF0, v40  }
0x94: {  	v3 =	vor.u32 v3, v4  }
0x95: {  	v4 =	vperm.xlane v3, v0;
	_ =	sdelay $0x1  }
0x96: {  	v3 =	vperm.xlane v3, v2;
	v4 =	vadd.s32 v1, v4;
	_ =	sdelay $0x1  }
0x97: {  	v3 =	vadd.s32 v1, v3;
	_ =	sdelay $0x1  }
0x98: {  	s13 =	rddreg [dreg:$0x11]  }
0x99: {  	[tilespmem:s13], [sflag:$0x4] =	stream.indirect_vreg.gather [hbm4b:s2+s3], $0x80, v4, vm0, $0xb8;
	[tilespmem:$0x1C800] =	vst v63  }
0x9a: {  	s4 =	rddreg [dreg:$0x12]  }
0x9b: {  	[tilespmem:s4], [sflag:$0x4] =	stream.indirect_vreg.gather [hbm4b:s2+s3], $0x80, v3, vm0, $0xb8;
	[tilespmem:$0x1C800] =	vst v63  }
0x9c: {  	v3 =	vld [tilespmem:$0x4B0];
	_ =	sdelay $0x4  }
0x9d: {  	v41 =	vshll.u32 v3, $0x1  }
0x9e: {  	v3 =	vand.u32 $0x7, v3;
	v4 =	vand.u32 $0xFFFFFFF0, v41  }
0x9f: {  	v3 =	vor.u32 v3, v4  }
0xa0: {  	v4 =	vperm.xlane v3, v0;
	_ =	sdelay $0x1  }
0xa1: {  	v3 =	vperm.xlane v3, v2;
	v4 =	vadd.s32 v1, v4;
	_ =	sdelay $0x1  }
0xa2: {  	v3 =	vadd.s32 v1, v3;
	_ =	sdelay $0x1  }
0xa3: {  	s13 =	rddreg [dreg:$0x13]  }
0xa4: {  	[tilespmem:s13], [sflag:$0x4] =	stream.indirect_vreg.gather [hbm4b:s2+s3], $0x80, v4, vm0, $0xb8;
	[tilespmem:$0x1C800] =	vst v63  }
0xa5: {  	s4 =	rddreg [dreg:$0x14]  }
0xa6: {  	[tilespmem:s4], [sflag:$0x4] =	stream.indirect_vreg.gather [hbm4b:s2+s3], $0x80, v3, vm0, $0xb8;
	[tilespmem:$0x1C800] =	vst v63  }
0xa7: {  	v3 =	vld [tilespmem:$0x80]  }
0xa8: {  	v4 =	vld [tilespmem:$0x280];
	_ =	sdelay $0x3  }
0xa9: {  	v42 =	vld [tilespmem:$0x90];
	v3 =	vshll.u32 v3, $0x8  }
0xaa: {  	v43 =	vld [tilespmem:$0x290];
	v3 =	vadd.s32 v4, v3  }
0xab: {  	v44 =	vld [tilespmem:$0xA0];
	v45 =	vshll.u32 v3, $0x1  }
0xac: {  	v46 =	vld [tilespmem:$0x2A0];
	v4 =	vand.u32 $0x7, v4;
	v8 =	vand.u32 $0xFFFFFFF0, v45  }
0xad: {  	v47 =	vld [tilespmem:$0xB0];
	v4 =	vor.u32 v4, v8  }
0xae: {  	v48 =	vld [tilespmem:$0x2B0];
	v49 =	vperm.xlane v4, v0;
	_ =	sdelay $0x1  }
0xaf: {  	v5 =	vshll.u32 v42, $0x8;
	v4 =	vperm.xlane v4, v2;
	v11 =	vadd.s32 v1, v49  }
0xb0: {  	v50 =	vshll.u32 v44, $0x8;
	[tilespmem:$0x500] =	vst v3;
	v3 =	vadd.s32 v43, v5  }
0xb1: {  	v51 =	vshll.u32 v47, $0x8;
	[tilespmem:$0x510] =	vst v3;
	v3 =	vadd.s32 v46, v50;
	v4 =	vadd.s32 v1, v4  }
0xb2: {  	[tilespmem:$0x520] =	vst v3;
	v3 =	vadd.s32 v48, v51  }
0xb3: {  	s4 =	simm.s32 $0x8800;
	[tilespmem:$0x530] =	vst v3  }
0xb4: {  	[tilespmem:s4], [sflag:$0x5] =	stream.indirect_vreg.gather [hbm4b:s2+s3], $0x80, v11, vm0, $0xb8;
	[tilespmem:$0x1C800] =	vst v63  }
0xb5: {  	s13 =	rddreg [dreg:$0x15]  }
0xb6: {  	[tilespmem:s13], [sflag:$0x5] =	stream.indirect_vreg.gather [hbm4b:s2+s3], $0x80, v4, vm0, $0xb8;
	[tilespmem:$0x1C800] =	vst v63  }
0xb7: {  	v3 =	vld [tilespmem:$0x510];
	_ =	sdelay $0x4  }
0xb8: {  	v52 =	vshll.u32 v3, $0x1  }
0xb9: {  	v3 =	vand.u32 $0x7, v3;
	v4 =	vand.u32 $0xFFFFFFF0, v52  }
0xba: {  	v3 =	vor.u32 v3, v4  }
0xbb: {  	v4 =	vperm.xlane v3, v0;
	_ =	sdelay $0x1  }
0xbc: {  	v3 =	vperm.xlane v3, v2;
	v4 =	vadd.s32 v1, v4;
	_ =	sdelay $0x1  }
0xbd: {  	v3 =	vadd.s32 v1, v3;
	_ =	sdelay $0x1  }
0xbe: {  	s12 =	rddreg [dreg:$0x16]  }
0xbf: {  	[tilespmem:s12], [sflag:$0x5] =	stream.indirect_vreg.gather [hbm4b:s2+s3], $0x80, v4, vm0, $0xb8;
	[tilespmem:$0x1C800] =	vst v63  }
0xc0: {  	s13 =	rddreg [dreg:$0x17]  }
0xc1: {  	[tilespmem:s13], [sflag:$0x5] =	stream.indirect_vreg.gather [hbm4b:s2+s3], $0x80, v3, vm0, $0xb8;
	[tilespmem:$0x1C800] =	vst v63  }
0xc2: {  	v3 =	vld [tilespmem:$0x520];
	_ =	sdelay $0x4  }
0xc3: {  	v53 =	vshll.u32 v3, $0x1  }
0xc4: {  	v3 =	vand.u32 $0x7, v3;
	v4 =	vand.u32 $0xFFFFFFF0, v53  }
0xc5: {  	v3 =	vor.u32 v3, v4  }
0xc6: {  	v4 =	vperm.xlane v3, v0;
	_ =	sdelay $0x1  }
0xc7: {  	v3 =	vperm.xlane v3, v2;
	v4 =	vadd.s32 v1, v4;
	_ =	sdelay $0x1  }
0xc8: {  	v3 =	vadd.s32 v1, v3;
	_ =	sdelay $0x1  }
0xc9: {  	s12 =	rddreg [dreg:$0x18]  }
0xca: {  	[tilespmem:s12], [sflag:$0x5] =	stream.indirect_vreg.gather [hbm4b:s2+s3], $0x80, v4, vm0, $0xb8;
	[tilespmem:$0x1C800] =	vst v63  }
0xcb: {  	s13 =	rddreg [dreg:$0x19]  }
0xcc: {  	[tilespmem:s13], [sflag:$0x5] =	stream.indirect_vreg.gather [hbm4b:s2+s3], $0x80, v3, vm0, $0xb8;
	[tilespmem:$0x1C800] =	vst v63  }
0xcd: {  	v3 =	vld [tilespmem:$0x530];
	_ =	sdelay $0x4  }
0xce: {  	v54 =	vshll.u32 v3, $0x1  }
0xcf: {  	v3 =	vand.u32 $0x7, v3;
	v4 =	vand.u32 $0xFFFFFFF0, v54  }
0xd0: {  	v3 =	vor.u32 v3, v4  }
0xd1: {  	v4 =	vperm.xlane v3, v0;
	_ =	sdelay $0x1  }
0xd2: {  	v3 =	vperm.xlane v3, v2;
	v4 =	vadd.s32 v1, v4;
	_ =	sdelay $0x1  }
0xd3: {  	v3 =	vadd.s32 v1, v3;
	_ =	sdelay $0x1  }
0xd4: {  	s12 =	rddreg [dreg:$0x1a]  }
0xd5: {  	[tilespmem:s12], [sflag:$0x5] =	stream.indirect_vreg.gather [hbm4b:s2+s3], $0x80, v4, vm0, $0xb8;
	[tilespmem:$0x1C800] =	vst v63  }
0xd6: {  	s13 =	rddreg [dreg:$0x1b]  }
0xd7: {  	[tilespmem:s13], [sflag:$0x5] =	stream.indirect_vreg.gather [hbm4b:s2+s3], $0x80, v3, vm0, $0xb8;
	[tilespmem:$0x1C800] =	vst v63  }
0xd8: {  	v3 =	vld [tilespmem:$0xC0]  }
0xd9: {  	v4 =	vld [tilespmem:$0x2C0];
	_ =	sdelay $0x3  }
0xda: {  	v55 =	vld [tilespmem:$0xD0];
	v3 =	vshll.u32 v3, $0x8  }
0xdb: {  	v56 =	vld [tilespmem:$0x2D0];
	v3 =	vadd.s32 v4, v3  }
0xdc: {  	v57 =	vld [tilespmem:$0xE0];
	v58 =	vshll.u32 v3, $0x1  }
0xdd: {  	v59 =	vld [tilespmem:$0x2E0];
	v4 =	vand.u32 $0x7, v4;
	v8 =	vand.u32 $0xFFFFFFF0, v58  }
0xde: {  	v60 =	vld [tilespmem:$0xF0];
	v4 =	vor.u32 v4, v8  }
0xdf: {  	v61 =	vld [tilespmem:$0x2F0];
	v62 =	vperm.xlane v4, v0;
	_ =	sdelay $0x1  }
0xe0: {  	v5 =	vshll.u32 v55, $0x8;
	v4 =	vperm.xlane v4, v2;
	v11 =	vadd.s32 v1, v62  }
0xe1: {  	v63 =	vshll.u32 v57, $0x8;
	[tilespmem:$0x580] =	vst v3;
	v3 =	vadd.s32 v56, v5  }
0xe2: {  	v10 =	vshll.u32 v60, $0x8;
	[tilespmem:$0x590] =	vst v3;
	v3 =	vadd.s32 v59, v63;
	v4 =	vadd.s32 v1, v4  }
0xe3: {  	[tilespmem:$0x5A0] =	vst v3;
	v3 =	vadd.s32 v61, v10  }
0xe4: {  	[tilespmem:$0x5B0] =	vst v3  }
0xe5: {  	[tilespmem:s6], [sflag:$0x6] =	stream.indirect_vreg.gather [hbm4b:s2+s3], $0x80, v11, vm0, $0xb8;
	[tilespmem:$0x1C800] =	vst v63  }
0xe6: {  	s13 =	rddreg [dreg:$0x1c]  }
0xe7: {  	[tilespmem:s13], [sflag:$0x6] =	stream.indirect_vreg.gather [hbm4b:s2+s3], $0x80, v4, vm0, $0xb8;
	[tilespmem:$0x1C800] =	vst v63  }
0xe8: {  	v3 =	vld [tilespmem:$0x590];
	_ =	sdelay $0x4  }
0xe9: {  	v11 =	vshll.u32 v3, $0x1  }
0xea: {  	v3 =	vand.u32 $0x7, v3;
	v4 =	vand.u32 $0xFFFFFFF0, v11  }
0xeb: {  	v3 =	vor.u32 v3, v4  }
0xec: {  	v4 =	vperm.xlane v3, v0;
	_ =	sdelay $0x1  }
0xed: {  	v3 =	vperm.xlane v3, v2;
	v4 =	vadd.s32 v1, v4;
	_ =	sdelay $0x1  }
0xee: {  	v3 =	vadd.s32 v1, v3;
	_ =	sdelay $0x1  }
0xef: {  	s12 =	rddreg [dreg:$0x1d]  }
0xf0: {  	[tilespmem:s12], [sflag:$0x6] =	stream.indirect_vreg.gather [hbm4b:s2+s3], $0x80, v4, vm0, $0xb8;
	[tilespmem:$0x1C800] =	vst v63  }
0xf1: {  	s13 =	rddreg [dreg:$0x1e]  }
0xf2: {  	[tilespmem:s13], [sflag:$0x6] =	stream.indirect_vreg.gather [hbm4b:s2+s3], $0x80, v3, vm0, $0xb8;
	[tilespmem:$0x1C800] =	vst v63  }
0xf3: {  	v3 =	vld [tilespmem:$0x5A0];
	_ =	sdelay $0x4  }
0xf4: {  	v12 =	vshll.u32 v3, $0x1  }
0xf5: {  	v3 =	vand.u32 $0x7, v3;
	v4 =	vand.u32 $0xFFFFFFF0, v12  }
0xf6: {  	v3 =	vor.u32 v3, v4  }
0xf7: {  	v4 =	vperm.xlane v3, v0;
	_ =	sdelay $0x1  }
0xf8: {  	v3 =	vperm.xlane v3, v2;
	v4 =	vadd.s32 v1, v4;
	_ =	sdelay $0x1  }
0xf9: {  	v3 =	vadd.s32 v1, v3  }
0xfa: {  	s12 =	rddreg [dreg:$0x1f]  }
0xfb: {  	s13 =	sld [smem:$0x7E6]  }
0xfc: {  	[tilespmem:s12], [sflag:$0x6] =	stream.indirect_vreg.gather [hbm4b:s2+s3], $0x80, v4, vm0, $0xb8;
	[tilespmem:$0x1C800] =	vst v63  }
0xfd: {  	_ = 	snop  }
0xfe: {  	[tilespmem:s13], [sflag:$0x6] =	stream.indirect_vreg.gather [hbm4b:s2+s3], $0x80, v3, vm0, $0xb8;
	[tilespmem:$0x1C800] =	vst v63  }
0xff: {  	v3 =	vld [tilespmem:$0x5B0];
	_ =	sdelay $0x4  }
0x100: {  	v13 =	vshll.u32 v3, $0x1  }
0x101: {  	v3 =	vand.u32 $0x7, v3;
	v4 =	vand.u32 $0xFFFFFFF0, v13  }
0x102: {  	v3 =	vor.u32 v3, v4  }
0x103: {  	v4 =	vperm.xlane v3, v0;
	_ =	sdelay $0x1  }
0x104: {  	v3 =	vperm.xlane v3, v2;
	v4 =	vadd.s32 v1, v4;
	_ =	sdelay $0x1  }
0x105: {  	s12 =	sld [smem:$0x7E7];
	v3 =	vadd.s32 v1, v3;
	_ =	sdelay $0x1  }
0x106: {  	s13 =	sld [smem:$0x7E8]  }
0x107: {  	[tilespmem:s12], [sflag:$0x6] =	stream.indirect_vreg.gather [hbm4b:s2+s3], $0x80, v4, vm0, $0xb8;
	[tilespmem:$0x1C800] =	vst v63  }
0x108: {  	_ = 	snop  }
0x109: {  	[tilespmem:s13], [sflag:$0x6] =	stream.indirect_vreg.gather [hbm4b:s2+s3], $0x80, v3, vm0, $0xb8;
	[tilespmem:$0x1C800] =	vst v63  }
0x10a: {  	v3 =	vld [tilespmem:$0x100]  }
0x10b: {  	v4 =	vld [tilespmem:$0x300];
	_ =	sdelay $0x3  }
0x10c: {  	v14 =	vld [tilespmem:$0x110];
	v3 =	vshll.u32 v3, $0x8  }
0x10d: {  	v15 =	vld [tilespmem:$0x310];
	v3 =	vadd.s32 v4, v3  }
0x10e: {  	v16 =	vld [tilespmem:$0x120];
	v17 =	vshll.u32 v3, $0x1  }
0x10f: {  	v18 =	vld [tilespmem:$0x320];
	v4 =	vand.u32 $0x7, v4;
	v8 =	vand.u32 $0xFFFFFFF0, v17  }
0x110: {  	v19 =	vld [tilespmem:$0x130];
	v4 =	vor.u32 v4, v8  }
0x111: {  	v20 =	vld [tilespmem:$0x330];
	v21 =	vperm.xlane v4, v0;
	_ =	sdelay $0x1  }
0x112: {  	v5 =	vshll.u32 v14, $0x8;
	v4 =	vperm.xlane v4, v2;
	v11 =	vadd.s32 v1, v21  }
0x113: {  	v22 =	vshll.u32 v16, $0x8;
	[tilespmem:$0x600] =	vst v3;
	v3 =	vadd.s32 v15, v5  }
0x114: {  	v23 =	vshll.u32 v19, $0x8;
	[tilespmem:$0x610] =	vst v3;
	v3 =	vadd.s32 v18, v22;
	v4 =	vadd.s32 v1, v4  }
0x115: {  	[tilespmem:$0x620] =	vst v3;
	v3 =	vadd.s32 v20, v23  }
0x116: {  	s13 =	sld [smem:$0x7E9];
	[tilespmem:$0x630] =	vst v3  }
0x117: {  	[tilespmem:s7], [sflag:$0x7] =	stream.indirect_vreg.gather [hbm4b:s2+s3], $0x80, v11, vm0, $0xb8;
	[tilespmem:$0x1C800] =	vst v63  }
0x118: {  	_ = 	snop  }
0x119: {  	[tilespmem:s13], [sflag:$0x7] =	stream.indirect_vreg.gather [hbm4b:s2+s3], $0x80, v4, vm0, $0xb8;
	[tilespmem:$0x1C800] =	vst v63  }
0x11a: {  	v3 =	vld [tilespmem:$0x610];
	_ =	sdelay $0x4  }
0x11b: {  	v24 =	vshll.u32 v3, $0x1  }
0x11c: {  	v3 =	vand.u32 $0x7, v3;
	v4 =	vand.u32 $0xFFFFFFF0, v24  }
0x11d: {  	v3 =	vor.u32 v3, v4  }
0x11e: {  	v4 =	vperm.xlane v3, v0;
	_ =	sdelay $0x1  }
0x11f: {  	v3 =	vperm.xlane v3, v2;
	v4 =	vadd.s32 v1, v4;
	_ =	sdelay $0x1  }
0x120: {  	s12 =	sld [smem:$0x7EA];
	v3 =	vadd.s32 v1, v3;
	_ =	sdelay $0x1  }
0x121: {  	s13 =	sld [smem:$0x7EB]  }
0x122: {  	[tilespmem:s12], [sflag:$0x7] =	stream.indirect_vreg.gather [hbm4b:s2+s3], $0x80, v4, vm0, $0xb8;
	[tilespmem:$0x1C800] =	vst v63  }
0x123: {  	_ = 	snop  }
0x124: {  	[tilespmem:s13], [sflag:$0x7] =	stream.indirect_vreg.gather [hbm4b:s2+s3], $0x80, v3, vm0, $0xb8;
	[tilespmem:$0x1C800] =	vst v63  }
0x125: {  	v3 =	vld [tilespmem:$0x620];
	_ =	sdelay $0x4  }
0x126: {  	v25 =	vshll.u32 v3, $0x1  }
0x127: {  	v3 =	vand.u32 $0x7, v3;
	v4 =	vand.u32 $0xFFFFFFF0, v25  }
0x128: {  	v3 =	vor.u32 v3, v4  }
0x129: {  	v4 =	vperm.xlane v3, v0;
	_ =	sdelay $0x1  }
0x12a: {  	v3 =	vperm.xlane v3, v2;
	v4 =	vadd.s32 v1, v4;
	_ =	sdelay $0x1  }
0x12b: {  	s12 =	sld [smem:$0x7EC];
	v3 =	vadd.s32 v1, v3;
	_ =	sdelay $0x1  }
0x12c: {  	s13 =	sld [smem:$0x7ED]  }
0x12d: {  	[tilespmem:s12], [sflag:$0x7] =	stream.indirect_vreg.gather [hbm4b:s2+s3], $0x80, v4, vm0, $0xb8;
	[tilespmem:$0x1C800] =	vst v63  }
0x12e: {  	_ = 	snop  }
0x12f: {  	[tilespmem:s13], [sflag:$0x7] =	stream.indirect_vreg.gather [hbm4b:s2+s3], $0x80, v3, vm0, $0xb8;
	[tilespmem:$0x1C800] =	vst v63  }
0x130: {  	v3 =	vld [tilespmem:$0x630];
	_ =	sdelay $0x4  }
0x131: {  	v26 =	vshll.u32 v3, $0x1  }
0x132: {  	v3 =	vand.u32 $0x7, v3;
	v4 =	vand.u32 $0xFFFFFFF0, v26  }
0x133: {  	v3 =	vor.u32 v3, v4  }
0x134: {  	v4 =	vperm.xlane v3, v0;
	_ =	sdelay $0x1  }
0x135: {  	v3 =	vperm.xlane v3, v2;
	v4 =	vadd.s32 v1, v4;
	_ =	sdelay $0x1  }
0x136: {  	s12 =	sld [smem:$0x7EE];
	v3 =	vadd.s32 v1, v3;
	_ =	sdelay $0x1  }
0x137: {  	s13 =	sld [smem:$0x7EF]  }
0x138: {  	[tilespmem:s12], [sflag:$0x7] =	stream.indirect_vreg.gather [hbm4b:s2+s3], $0x80, v4, vm0, $0xb8;
	[tilespmem:$0x1C800] =	vst v63  }
0x139: {  	_ = 	snop  }
0x13a: {  	[tilespmem:s13], [sflag:$0x7] =	stream.indirect_vreg.gather [hbm4b:s2+s3], $0x80, v3, vm0, $0xb8;
	[tilespmem:$0x1C800] =	vst v63  }
0x13b: {  	v3 =	vld [tilespmem:$0x140]  }
0x13c: {  	v4 =	vld [tilespmem:$0x340];
	_ =	sdelay $0x3  }
0x13d: {  	v27 =	vld [tilespmem:$0x150];
	v3 =	vshll.u32 v3, $0x8  }
0x13e: {  	v28 =	vld [tilespmem:$0x350];
	v3 =	vadd.s32 v4, v3  }
0x13f: {  	v29 =	vld [tilespmem:$0x160];
	v30 =	vshll.u32 v3, $0x1  }
0x140: {  	v31 =	vld [tilespmem:$0x360];
	v4 =	vand.u32 $0x7, v4;
	v8 =	vand.u32 $0xFFFFFFF0, v30  }
0x141: {  	v32 =	vld [tilespmem:$0x170];
	v4 =	vor.u32 v4, v8  }
0x142: {  	v33 =	vld [tilespmem:$0x370];
	v34 =	vperm.xlane v4, v0;
	_ =	sdelay $0x1  }
0x143: {  	v5 =	vshll.u32 v27, $0x8;
	v4 =	vperm.xlane v4, v2;
	v11 =	vadd.s32 v1, v34  }
0x144: {  	v35 =	vshll.u32 v29, $0x8;
	[tilespmem:$0x680] =	vst v3;
	v3 =	vadd.s32 v28, v5  }
0x145: {  	v36 =	vshll.u32 v32, $0x8;
	[tilespmem:$0x690] =	vst v3;
	v3 =	vadd.s32 v31, v35;
	v4 =	vadd.s32 v1, v4  }
0x146: {  	[tilespmem:$0x6A0] =	vst v3;
	v3 =	vadd.s32 v33, v36  }
0x147: {  	s13 =	sld [smem:$0x7F0];
	[tilespmem:$0x6B0] =	vst v3  }
0x148: {  	[tilespmem:s23], [sflag:$0x8] =	stream.indirect_vreg.gather [hbm4b:s2+s3], $0x80, v11, vm0, $0xb8;
	[tilespmem:$0x1C800] =	vst v63  }
0x149: {  	_ = 	snop  }
0x14a: {  	[tilespmem:s13], [sflag:$0x8] =	stream.indirect_vreg.gather [hbm4b:s2+s3], $0x80, v4, vm0, $0xb8;
	[tilespmem:$0x1C800] =	vst v63  }
0x14b: {  	v3 =	vld [tilespmem:$0x690];
	_ =	sdelay $0x4  }
0x14c: {  	v37 =	vshll.u32 v3, $0x1  }
0x14d: {  	v3 =	vand.u32 $0x7, v3;
	v4 =	vand.u32 $0xFFFFFFF0, v37  }
0x14e: {  	v3 =	vor.u32 v3, v4  }
0x14f: {  	v4 =	vperm.xlane v3, v0;
	_ =	sdelay $0x1  }
0x150: {  	v3 =	vperm.xlane v3, v2;
	v4 =	vadd.s32 v1, v4;
	_ =	sdelay $0x1  }
0x151: {  	s12 =	sld [smem:$0x7F1];
	v3 =	vadd.s32 v1, v3;
	_ =	sdelay $0x1  }
0x152: {  	s13 =	sld [smem:$0x7F2]  }
0x153: {  	[tilespmem:s12], [sflag:$0x8] =	stream.indirect_vreg.gather [hbm4b:s2+s3], $0x80, v4, vm0, $0xb8;
	[tilespmem:$0x1C800] =	vst v63  }
0x154: {  	_ = 	snop  }
0x155: {  	[tilespmem:s13], [sflag:$0x8] =	stream.indirect_vreg.gather [hbm4b:s2+s3], $0x80, v3, vm0, $0xb8;
	[tilespmem:$0x1C800] =	vst v63  }
0x156: {  	v3 =	vld [tilespmem:$0x6A0];
	_ =	sdelay $0x4  }
0x157: {  	v38 =	vshll.u32 v3, $0x1  }
0x158: {  	v3 =	vand.u32 $0x7, v3;
	v4 =	vand.u32 $0xFFFFFFF0, v38  }
0x159: {  	v3 =	vor.u32 v3, v4  }
0x15a: {  	v4 =	vperm.xlane v3, v0;
	_ =	sdelay $0x1  }
0x15b: {  	v3 =	vperm.xlane v3, v2;
	v4 =	vadd.s32 v1, v4;
	_ =	sdelay $0x1  }
0x15c: {  	s12 =	sld [smem:$0x7F3];
	v3 =	vadd.s32 v1, v3;
	_ =	sdelay $0x1  }
0x15d: {  	s13 =	sld [smem:$0x7F4]  }
0x15e: {  	[tilespmem:s12], [sflag:$0x8] =	stream.indirect_vreg.gather [hbm4b:s2+s3], $0x80, v4, vm0, $0xb8;
	[tilespmem:$0x1C800] =	vst v63  }
0x15f: {  	_ = 	snop  }
0x160: {  	[tilespmem:s13], [sflag:$0x8] =	stream.indirect_vreg.gather [hbm4b:s2+s3], $0x80, v3, vm0, $0xb8;
	[tilespmem:$0x1C800] =	vst v63  }
0x161: {  	v3 =	vld [tilespmem:$0x6B0];
	_ =	sdelay $0x4  }
0x162: {  	v39 =	vshll.u32 v3, $0x1  }
0x163: {  	v3 =	vand.u32 $0x7, v3;
	v4 =	vand.u32 $0xFFFFFFF0, v39  }
0x164: {  	v3 =	vor.u32 v3, v4  }
0x165: {  	v4 =	vperm.xlane v3, v0;
	_ =	sdelay $0x1  }
0x166: {  	v3 =	vperm.xlane v3, v2;
	v4 =	vadd.s32 v1, v4;
	_ =	sdelay $0x1  }
0x167: {  	s12 =	sld [smem:$0x7F5];
	v3 =	vadd.s32 v1, v3;
	_ =	sdelay $0x1  }
0x168: {  	s13 =	sld [smem:$0x7F6]  }
0x169: {  	[tilespmem:s12], [sflag:$0x8] =	stream.indirect_vreg.gather [hbm4b:s2+s3], $0x80, v4, vm0, $0xb8;
	[tilespmem:$0x1C800] =	vst v63  }
0x16a: {  	_ = 	snop  }
0x16b: {  	[tilespmem:s13], [sflag:$0x8] =	stream.indirect_vreg.gather [hbm4b:s2+s3], $0x80, v3, vm0, $0xb8;
	[tilespmem:$0x1C800] =	vst v63  }
0x16c: {  	v3 =	vld [tilespmem:$0x180]  }
0x16d: {  	v4 =	vld [tilespmem:$0x380]  }
0x16e: {  	v40 =	vld [tilespmem:$0x190]  }
0x16f: {  	v41 =	vld [tilespmem:$0x390]  }
0x170: {  	v42 =	vld [tilespmem:$0x1A0]  }
0x171: {  	v43 =	vld [tilespmem:$0x3A0]  }
0x172: {  	v44 =	vld [tilespmem:$0x1B0]  }
0x173: {  	v45 =	vld [tilespmem:$0x3B0]  }
0x174: {  	v11 =	vld [tilespmem:$0x1C0]  }
0x175: {  	v12 =	vld [tilespmem:$0x3C0]  }
0x176: {  	v13 =	vld [tilespmem:$0x1D0]  }
0x177: {  	v14 =	vld [tilespmem:$0x3D0]  }
0x178: {  	v15 =	vld [tilespmem:$0x1E0];
	v3 =	vshll.u32 v3, $0x8  }
0x179: {  	v47 =	vld [tilespmem:$0x3E0];
	v46 =	vshll.u32 v40, $0x8;
	v3 =	vadd.s32 v4, v3  }
0x17a: {  	v49 =	vld [tilespmem:$0x1F0];
	v48 =	vshll.u32 v42, $0x8;
	[tilespmem:$0x700] =	vst v3;
	v3 =	vadd.s32 v41, v46  }
0x17b: {  	v51 =	vld [tilespmem:$0x3F0];
	v50 =	vshll.u32 v44, $0x8;
	[tilespmem:$0x710] =	vst v3;
	v3 =	vadd.s32 v43, v48  }
0x17c: {  	v52 =	vshll.u32 v11, $0x8;
	[tilespmem:$0x720] =	vst v3;
	v3 =	vadd.s32 v45, v50  }
0x17d: {  	v53 =	vshll.u32 v13, $0x8;
	[tilespmem:$0x730] =	vst v3;
	v3 =	vadd.s32 v12, v52  }
0x17e: {  	v54 =	vshll.u32 v15, $0x8;
	[tilespmem:$0x780] =	vst v3;
	v3 =	vadd.s32 v14, v53  }
0x17f: {  	v55 =	vshll.u32 v49, $0x8;
	[tilespmem:$0x790] =	vst v3;
	v3 =	vadd.s32 v47, v54  }
0x180: {  	[tilespmem:$0x7A0] =	vst v3;
	v3 =	vadd.s32 v51, v55  }
0x181: {  	[tilespmem:$0x7B0] =	vst v3  }
0x182: {  	_ =	swait.ge [sflag:s21], $0x4000  }
0x183: {  	s13 =	sld [smem:$0x7E5]  }
0x184: {  	[sflag:s21] =	ssyncset.done $0x0  }
0x185: {  	[sflag:s21] =	ssyncadd.s32 $0xFFFFC000  }
0x186: {  	[hbm4b:s13+s3] =	stream.linear.scatter [tilespmem:s8], [sflag:$0xA], $0x4000, $0x38;
	[tilespmem:$0x1C800] =	vst v63  }
0x187: {  	v3 =	vld [tilespmem:$0x700];
	_ =	sdelay $0x4  }
0x188: {  	v56 =	vshll.u32 v3, $0x1  }
0x189: {  	v3 =	vand.u32 $0x7, v3;
	v4 =	vand.u32 $0xFFFFFFF0, v56  }
0x18a: {  	v3 =	vor.u32 v3, v4  }
0x18b: {  	v4 =	vperm.xlane v3, v0;
	_ =	sdelay $0x1  }
0x18c: {  	v3 =	vperm.xlane v3, v2;
	v4 =	vadd.s32 v1, v4;
	_ =	sdelay $0x1  }
0x18d: {  	v3 =	vadd.s32 v1, v3;
	_ =	sdelay $0x1  }
0x18e: {  	s13 =	sld [smem:$0x7F7]  }
0x18f: {  	[tilespmem:s25], [sflag:$0x9] =	stream.indirect_vreg.gather [hbm4b:s2+s3], $0x80, v4, vm0, $0xb8;
	[tilespmem:$0x1C800] =	vst v63  }
0x190: {  	_ = 	snop  }
0x191: {  	[tilespmem:s13], [sflag:$0x9] =	stream.indirect_vreg.gather [hbm4b:s2+s3], $0x80, v3, vm0, $0xb8;
	[tilespmem:$0x1C800] =	vst v63  }
0x192: {  	v3 =	vld [tilespmem:$0x710];
	_ =	sdelay $0x4  }
0x193: {  	v57 =	vshll.u32 v3, $0x1  }
0x194: {  	v3 =	vand.u32 $0x7, v3;
	v4 =	vand.u32 $0xFFFFFFF0, v57  }
0x195: {  	v3 =	vor.u32 v3, v4  }
0x196: {  	v4 =	vperm.xlane v3, v0;
	_ =	sdelay $0x1  }
0x197: {  	v3 =	vperm.xlane v3, v2;
	v4 =	vadd.s32 v1, v4;
	_ =	sdelay $0x1  }
0x198: {  	s12 =	sld [smem:$0x7F8];
	v3 =	vadd.s32 v1, v3;
	_ =	sdelay $0x1  }
0x199: {  	s13 =	sld [smem:$0x7F9]  }
0x19a: {  	[tilespmem:s12], [sflag:$0x9] =	stream.indirect_vreg.gather [hbm4b:s2+s3], $0x80, v4, vm0, $0xb8;
	[tilespmem:$0x1C800] =	vst v63  }
0x19b: {  	_ = 	snop  }
0x19c: {  	[tilespmem:s13], [sflag:$0x9] =	stream.indirect_vreg.gather [hbm4b:s2+s3], $0x80, v3, vm0, $0xb8;
	[tilespmem:$0x1C800] =	vst v63  }
0x19d: {  	v3 =	vld [tilespmem:$0x720];
	_ =	sdelay $0x4  }
0x19e: {  	v58 =	vshll.u32 v3, $0x1  }
0x19f: {  	v3 =	vand.u32 $0x7, v3;
	v4 =	vand.u32 $0xFFFFFFF0, v58  }
0x1a0: {  	v3 =	vor.u32 v3, v4  }
0x1a1: {  	v4 =	vperm.xlane v3, v0;
	_ =	sdelay $0x1  }
0x1a2: {  	v3 =	vperm.xlane v3, v2;
	v4 =	vadd.s32 v1, v4;
	_ =	sdelay $0x1  }
0x1a3: {  	s12 =	sld [smem:$0x7FA];
	v3 =	vadd.s32 v1, v3;
	_ =	sdelay $0x1  }
0x1a4: {  	s13 =	sld [smem:$0x7FB]  }
0x1a5: {  	[tilespmem:s12], [sflag:$0x9] =	stream.indirect_vreg.gather [hbm4b:s2+s3], $0x80, v4, vm0, $0xb8;
	[tilespmem:$0x1C800] =	vst v63  }
0x1a6: {  	_ = 	snop  }
0x1a7: {  	[tilespmem:s13], [sflag:$0x9] =	stream.indirect_vreg.gather [hbm4b:s2+s3], $0x80, v3, vm0, $0xb8;
	[tilespmem:$0x1C800] =	vst v63  }
0x1a8: {  	v3 =	vld [tilespmem:$0x730];
	_ =	sdelay $0x4  }
0x1a9: {  	v59 =	vshll.u32 v3, $0x1  }
0x1aa: {  	v3 =	vand.u32 $0x7, v3;
	v4 =	vand.u32 $0xFFFFFFF0, v59  }
0x1ab: {  	v3 =	vor.u32 v3, v4  }
0x1ac: {  	v4 =	vperm.xlane v3, v0;
	_ =	sdelay $0x1  }
0x1ad: {  	v3 =	vperm.xlane v3, v2;
	v4 =	vadd.s32 v1, v4;
	_ =	sdelay $0x1  }
0x1ae: {  	s12 =	sld [smem:$0x7FC];
	v3 =	vadd.s32 v1, v3;
	_ =	sdelay $0x1  }
0x1af: {  	s13 =	sld [smem:$0x7FD]  }
0x1b0: {  	[tilespmem:s12], [sflag:$0x9] =	stream.indirect_vreg.gather [hbm4b:s2+s3], $0x80, v4, vm0, $0xb8;
	[tilespmem:$0x1C800] =	vst v63  }
0x1b1: {  	_ = 	snop  }
0x1b2: {  	[tilespmem:s13], [sflag:$0x9] =	stream.indirect_vreg.gather [hbm4b:s2+s3], $0x80, v3, vm0, $0xb8;
	[tilespmem:$0x1C800] =	vst v63  }
0x1b3: {  	s13 =	simm.s32 $0x4  }
0x1b4: {  	_ =	swait.ge [sflag:s13], $0x4000  }
0x1b5: {  	[sflag:s13] =	ssyncset.done $0x0  }
0x1b6: {  	s12 =	rddreg [dreg:$0x6];
	[sflag:s13] =	ssyncadd.s32 $0xFFFFC000  }
0x1b7: {  	[hbm4b:s12+s3] =	stream.linear.scatter [tilespmem:s22], [sflag:$0xB], $0x4000, $0x38;
	[tilespmem:$0x1C800] =	vst v63  }
0x1b8: {  	_ =	swait.ge [sflag:s24], $0x4000  }
0x1b9: {  	[sflag:s24] =	ssyncset.done $0x0  }
0x1ba: {  	[sflag:s24] =	ssyncadd.s32 $0xFFFFC000  }
0x1bb: {  	v3 =	vld [tilespmem:$0x780];
	_ =	sdelay $0x4  }
0x1bc: {  	v60 =	vshll.u32 v3, $0x1  }
0x1bd: {  	v3 =	vand.u32 $0x7, v3;
	v4 =	vand.u32 $0xFFFFFFF0, v60  }
0x1be: {  	v3 =	vor.u32 v3, v4  }
0x1bf: {  	v4 =	vperm.xlane v3, v0;
	_ =	sdelay $0x1  }
0x1c0: {  	v3 =	vperm.xlane v3, v2;
	v4 =	vadd.s32 v1, v4;
	_ =	sdelay $0x1  }
0x1c1: {  	v3 =	vadd.s32 v1, v3;
	_ =	sdelay $0x2  }
0x1c2: {  	[tilespmem:s8], [sflag:$0x3] =	stream.indirect_vreg.gather [hbm4b:s2+s3], $0x80, v4, vm0, $0xb8;
	[tilespmem:$0x1C800] =	vst v63  }
0x1c3: {  	_ = 	snop  }
0x1c4: {  	[tilespmem:s14], [sflag:$0x3] =	stream.indirect_vreg.gather [hbm4b:s2+s3], $0x80, v3, vm0, $0xb8;
	[tilespmem:$0x1C800] =	vst v63  }
0x1c5: {  	v3 =	vld [tilespmem:$0x790];
	_ =	sdelay $0x4  }
0x1c6: {  	v61 =	vshll.u32 v3, $0x1  }
0x1c7: {  	v3 =	vand.u32 $0x7, v3;
	v4 =	vand.u32 $0xFFFFFFF0, v61  }
0x1c8: {  	v3 =	vor.u32 v3, v4  }
0x1c9: {  	v4 =	vperm.xlane v3, v0;
	_ =	sdelay $0x1  }
0x1ca: {  	v3 =	vperm.xlane v3, v2;
	v4 =	vadd.s32 v1, v4;
	_ =	sdelay $0x1  }
0x1cb: {  	v3 =	vadd.s32 v1, v3;
	_ =	sdelay $0x2  }
0x1cc: {  	[tilespmem:s15], [sflag:$0x3] =	stream.indirect_vreg.gather [hbm4b:s2+s3], $0x80, v4, vm0, $0xb8;
	[tilespmem:$0x1C800] =	vst v63  }
0x1cd: {  	_ = 	snop  }
0x1ce: {  	[tilespmem:s16], [sflag:$0x3] =	stream.indirect_vreg.gather [hbm4b:s2+s3], $0x80, v3, vm0, $0xb8;
	[tilespmem:$0x1C800] =	vst v63  }
0x1cf: {  	v3 =	vld [tilespmem:$0x7A0];
	_ =	sdelay $0x4  }
0x1d0: {  	v62 =	vshll.u32 v3, $0x1  }
0x1d1: {  	v3 =	vand.u32 $0x7, v3;
	v4 =	vand.u32 $0xFFFFFFF0, v62  }
0x1d2: {  	v3 =	vor.u32 v3, v4  }
0x1d3: {  	v4 =	vperm.xlane v3, v0;
	_ =	sdelay $0x1  }
0x1d4: {  	v3 =	vperm.xlane v3, v2;
	v4 =	vadd.s32 v1, v4;
	_ =	sdelay $0x1  }
0x1d5: {  	v3 =	vadd.s32 v1, v3;
	_ =	sdelay $0x2  }
0x1d6: {  	[tilespmem:s17], [sflag:$0x3] =	stream.indirect_vreg.gather [hbm4b:s2+s3], $0x80, v4, vm0, $0xb8;
	[tilespmem:$0x1C800] =	vst v63  }
0x1d7: {  	_ = 	snop  }
0x1d8: {  	[tilespmem:s18], [sflag:$0x3] =	stream.indirect_vreg.gather [hbm4b:s2+s3], $0x80, v3, vm0, $0xb8;
	[tilespmem:$0x1C800] =	vst v63  }
0x1d9: {  	v3 =	vld [tilespmem:$0x7B0];
	_ =	sdelay $0x4  }
0x1da: {  	v63 =	vshll.u32 v3, $0x1  }
0x1db: {  	v3 =	vand.u32 $0x7, v3;
	v4 =	vand.u32 $0xFFFFFFF0, v63  }
0x1dc: {  	v3 =	vor.u32 v3, v4  }
0x1dd: {  	v4 =	vperm.xlane v3, v0;
	_ =	sdelay $0x1  }
0x1de: {  	v3 =	vperm.xlane v3, v2;
	v4 =	vadd.s32 v1, v4;
	_ =	sdelay $0x1  }
0x1df: {  	v3 =	vadd.s32 v1, v3;
	_ =	sdelay $0x2  }
0x1e0: {  	[tilespmem:s19], [sflag:$0x3] =	stream.indirect_vreg.gather [hbm4b:s2+s3], $0x80, v4, vm0, $0xb8;
	[tilespmem:$0x1C800] =	vst v63  }
0x1e1: {  	s12 =	simm.s32 $0x5  }
0x1e2: {  	[tilespmem:s20], [sflag:$0x3] =	stream.indirect_vreg.gather [hbm4b:s2+s3], $0x80, v3, vm0, $0xb8;
	[tilespmem:$0x1C800] =	vst v63  }
0x1e3: {  	_ =	swait.ge [sflag:s12], $0x4000  }
0x1e4: {  	[sflag:s12] =	ssyncset.done $0x0  }
0x1e5: {  	s14 =	rddreg [dreg:$0x7];
	[sflag:s12] =	ssyncadd.s32 $0xFFFFC000  }
0x1e6: {  	[hbm4b:s14+s3] =	stream.linear.scatter [tilespmem:s4], [sflag:$0xC], $0x4000, $0x38;
	[tilespmem:$0x1C800] =	vst v63  }
0x1e7: {  	_ =	swait.ge [sflag:s26], $0x4000  }
0x1e8: {  	[sflag:s26] =	ssyncset.done $0x0  }
0x1e9: {  	s13 =	rddreg [dreg:$0x8];
	[sflag:s26] =	ssyncadd.s32 $0xFFFFC000  }
0x1ea: {  	[hbm4b:s13+s3] =	stream.linear.scatter [tilespmem:s6], [sflag:$0xD], $0x4000, $0x38;
	[tilespmem:$0x1C800] =	vst v63  }
0x1eb: {  	_ =	swait.ge [sflag:s28], $0x4000  }
0x1ec: {  	[sflag:s28] =	ssyncset.done $0x0  }
0x1ed: {  	s14 =	rddreg [dreg:$0x9];
	[sflag:s28] =	ssyncadd.s32 $0xFFFFC000  }
0x1ee: {  	[hbm4b:s14+s3] =	stream.linear.scatter [tilespmem:s7], [sflag:$0xE], $0x4000, $0x38;
	[tilespmem:$0x1C800] =	vst v63  }
0x1ef: {  	_ =	swait.ge [sflag:s29], $0x4000  }
0x1f0: {  	[sflag:s29] =	ssyncset.done $0x0  }
0x1f1: {  	s4 =	rddreg [dreg:$0xa];
	[sflag:s29] =	ssyncadd.s32 $0xFFFFC000  }
0x1f2: {  	[hbm4b:s4+s3] =	stream.linear.scatter [tilespmem:s23], [sflag:$0xF], $0x4000, $0x38;
	[tilespmem:$0x1C800] =	vst v63  }
0x1f3: {  	_ =	swait.ge [sflag:s30], $0x4000  }
0x1f4: {  	[sflag:s30] =	ssyncset.done $0x0  }
0x1f5: {  	s13 =	rddreg [dreg:$0xb];
	[sflag:s30] =	ssyncadd.s32 $0xFFFFC000  }
0x1f6: {  	[hbm4b:s13+s3] =	stream.linear.scatter [tilespmem:s25], [sflag:$0x10], $0x4000, $0x38;
	[tilespmem:$0x1C800] =	vst v63  }
0x1f7: {  	_ =	swait.ge [sflag:s21], $0x4000  }
0x1f8: {  	[sflag:s21] =	ssyncset.done $0x0  }
0x1f9: {  	s14 =	rddreg [dreg:$0xc];
	[sflag:s21] =	ssyncadd.s32 $0xFFFFC000  }
0x1fa: {  	[hbm4b:s14+s3] =	stream.linear.scatter [tilespmem:s8], [sflag:$0xA], $0x4000, $0x38;
	[tilespmem:$0x1C800] =	vst v63  }
0x1fb: {  	_ =	swait.ge [sflag:s31], $0x4000  }
0x1fc: {  	[sflag:s31] =	ssyncset.done $0x0  }
0x1fd: {  	[sflag:s31] =	ssyncadd.s32 $0xFFFFC000  }
0x1fe: {  	_ =	swait.ge [sflag:s1], $0x4000  }
0x1ff: {  	[sflag:s1] =	ssyncset.done $0x0  }
0x200: {  	[sflag:s1] =	ssyncadd.s32 $0xFFFFC000  }
0x201: {  	_ =	swait.ge [sflag:s0], $0x4000  }
0x202: {  	[sflag:s0] =	ssyncset.done $0x0  }
0x203: {  	[sflag:s0] =	ssyncadd.s32 $0xFFFFC000  }
0x204: {  	_ =	swait.ge [sflag:s9], $0x4000  }
0x205: {  	[sflag:s9] =	ssyncset.done $0x0  }
0x206: {  	[sflag:s9] =	ssyncadd.s32 $0xFFFFC000  }
0x207: {  	_ =	swait.ge [sflag:s10], $0x4000  }
0x208: {  	[sflag:s10] =	ssyncset.done $0x0  }
0x209: {  	[sflag:s10] =	ssyncadd.s32 $0xFFFFC000  }
0x20a: {  	p0 =	sne.s32 s5, $0x1;
	_ =	swait.ge [sflag:s11], $0x4000  }
.Ltmp0:
0x20b: {  	[sflag:s11] =	ssyncset.done $0x0;
	(pc) =	sbr.rel @p0 .LBB2_1-.Ltmp0, $4  }
0x20c: {  	[sflag:s11] =	ssyncadd.s32 $0xFFFFC000  }
0x20d: {  	_ =	swait.ge [sflag:s24], $0x4000  }
0x20e: {  	[sflag:s24] =	ssyncset.done $0x0  }
0x20f: {  	s5 =	sadd.s32 $0xFFFFFFFF, s5;
	[sflag:s24] =	ssyncadd.s32 $0xFFFFC000  }
0x210: {  	_ =	sfence.sel $0x180000  }
0x211: {  	[bflag:$0x0] =	sbarrier.arrive $0xFFFF  }
0x212: {  	_ =	strace $0x90000047  }
0x213: {  	s0 =	stileid.u32;
	[bflag:$0x2] =	sbarrier.arrive $0xFFFF  }
0x214: {  	p0 =	sne.s32 s0, $0x0;
	s0 =	rddreg [dreg:$0x3]  }
0x215: {  	s0 =	sadd.s32 @!p0 $0x100000, s0  }
0x216: {  	[sflag:s0] =	ssyncadd.tile.s32 @!p0 $0x1;
	_ =	shalt  }
.Lfunc_end2:
_tile_overlayer_lowered:
.L_overlay_start_2:
0x217: {  	(tag) =	ssettag $0x2  }
0x218: {  	s0 =	rddreg [dreg:$0x0];
	s2 =	stileid.u32  }
0x219: {  	s1 =	rddreg [dreg:$0x1];
	p0 =	sne.s32 s2, $0x0  }
0x21a: {  	s3 =	rddreg [dreg:$0x2];
	[bflag:$0x3] =	sbarrier.arrive $0xFFFF;
	s2 =	simm.s32 @!p0 $0x1C11  }
0x21b: {  	[timem:s3], [sflag:s2] =	dma.local @!p0 [hbm:s0], s1  }
0x21c: {  	s0 =	simm.s32 @!p0 $0x11  }
0x21d: {  	_ =	swait.ge @!p0 [sflag:s0], s1  }
0x21e: {  	s1 =	ssub.s32 @!p0 $0x0, s1;
	[sflag:s0] =	ssyncset.done @!p0 $0x0  }
0x21f: {  	[sflag:s0] =	ssyncadd.s32 @!p0 s1  }
0x220: {  	[bflag:$0x3] =	sbarrier.arrive $0xFFFF  }
0x221: {  	_ =	shalt  }

</sc_bundles>
